<compile_context>
chip_gen: v7x
topology: tpu7x:2x2x1
jax: 0.10.2.dev20260603
libtpu: 0.0.44.dev20260713+nightly
codegen_flags: <defaults>
</compile_context>

<pallas_src>
import functools

import jax
import jax.numpy as jnp
from jax import lax
from jax.experimental import pallas as pl
from jax.experimental.pallas import tpu as pltpu
from jax.experimental.pallas import tpu_sc as plsc

NUM_TABLES = 6
STEPS = 1000
BATCH = 16384
NC = 1
NS = 16
L = 16
NW = NC * NS
CHUNK = BATCH // NW
GROUPS = CHUNK // L


@functools.partial(
    pl.kernel,
    mesh=plsc.VectorSubcoreMesh(core_axis_name="c", subcore_axis_name="s",
                                num_cores=NC),
    out_type=jax.ShapeDtypeStruct((NUM_TABLES, BATCH), jnp.float32),
    compiler_params=pltpu.CompilerParams(needs_layout_passes=False),
    scratch_types=[
        pltpu.VMEM((CHUNK,), jnp.int32),
        *[pltpu.VMEM((STEPS,), jnp.float32) for _ in range(NUM_TABLES)],
        pltpu.VMEM((NUM_TABLES, CHUNK), jnp.float32),
        pltpu.SemaphoreType.DMA,
    ],
)
def _sched_gather(t_hbm, tb0, tb1, tb2, tb3, tb4, tb5, out_hbm,
                  idx_v, tv0, tv1, tv2, tv3, tv4, tv5, out_v, sem):
    wid = lax.axis_index("s") * NC + lax.axis_index("c")
    base = pl.multiple_of(wid * CHUNK, CHUNK)
    tabs = (tb0, tb1, tb2, tb3, tb4, tb5)
    tvs = (tv0, tv1, tv2, tv3, tv4, tv5)

    loads = [pltpu.async_copy(t_hbm.at[pl.ds(base, CHUNK)], idx_v, sem)]
    for j in range(NUM_TABLES):
        loads.append(pltpu.async_copy(tabs[j], tvs[j], sem))
    for c in loads:
        c.wait()

    def body(g, carry):
        off = pl.multiple_of(g * L, L)
        idx = idx_v[pl.ds(off, L)]
        for j in range(NUM_TABLES):
            out_v[j, pl.ds(off, L)] = plsc.load_gather(tvs[j], [idx])
        return carry

    half = CHUNK // 2
    lax.fori_loop(0, GROUPS // 2, body, 0, unroll=4)
    first = pltpu.async_copy(out_v.at[:, pl.ds(0, half)],
                             out_hbm.at[:, pl.ds(base, half)], sem)
    lax.fori_loop(GROUPS // 2, GROUPS, body, 0, unroll=4)
    second = pltpu.async_copy(out_v.at[:, pl.ds(half, half)],
                              out_hbm.at[:, pl.ds(base + half, half)], sem)
    first.wait()
    second.wait()


def kernel(t, betas, alphas, alpha_bars, alpha_bars_prev,
           sqrt_one_minus_alpha_bars, sigmas):
    return _sched_gather(t, betas, alphas, alpha_bars, alpha_bars_prev,
                         sqrt_one_minus_alpha_bars, sigmas)

# --- scband reference (transcript-rebuilt; emitter-appended) ---
"""Pipeline reference for scband-variance-schedule-68032281969108 (READ-ONLY COPY).

The authoritative reference and input builder live on the scoring server;
editing this copy changes nothing except your own understanding.
"""

import jax, jax.numpy as jnp
import numpy as np

STEPS = 1000
BATCH = 16384


def _make_tables(steps=STEPS):
    a, b = 0.00085, 0.012
    betas = jnp.linspace(a ** 0.5, b ** 0.5, steps, dtype=jnp.float32) ** 2
    alphas = 1.0 - betas
    alpha_bars = jnp.cumprod(alphas, axis=0)
    alpha_bars_prev = jnp.concatenate([jnp.ones((1,), dtype=jnp.float32), alpha_bars[:-1]], axis=0)
    sqrt_one_minus_alpha_bars = jnp.sqrt(1.0 - alpha_bars)
    sigmas = 0.0 * jnp.sqrt((1.0 - alpha_bars_prev) / (1.0 - alpha_bars) * (1.0 - alpha_bars / alpha_bars_prev))
    return betas, alphas, alpha_bars, alpha_bars_prev, sqrt_one_minus_alpha_bars, sigmas


def setup_inputs(seed: int = 0) -> dict:
    key = jax.random.key(seed)
    t = jax.random.randint(key, (BATCH,), 0, STEPS, dtype=jnp.int32)
    betas, alphas, alpha_bars, alpha_bars_prev, sqrt_one_minus_alpha_bars, sigmas = _make_tables()
    return {
        "t": t,
        "betas": betas,
        "alphas": alphas,
        "alpha_bars": alpha_bars,
        "alpha_bars_prev": alpha_bars_prev,
        "sqrt_one_minus_alpha_bars": sqrt_one_minus_alpha_bars,
        "sigmas": sigmas,
    }


def reference(t, betas, alphas, alpha_bars, alpha_bars_prev, sqrt_one_minus_alpha_bars, sigmas):
    # Gather every schedule quantity at timestep t (equivalent to calling
    # beta(t), alpha(t), alpha_bar(t), alpha_bar_prev(t),
    # sqrt_one_minus_alpha_bar(t), sigma(t) on the torch module).
    beta_t = jnp.take(betas, t, axis=0)
    alpha_t = jnp.take(alphas, t, axis=0)
    alpha_bar_t = jnp.take(alpha_bars, t, axis=0)
    alpha_bar_prev_t = jnp.take(alpha_bars_prev, t, axis=0)
    sqrt_one_minus_alpha_bar_t = jnp.take(sqrt_one_minus_alpha_bars, t, axis=0)
    sigma_t = jnp.take(sigmas, t, axis=0)
    return jnp.stack([beta_t, alpha_t, alpha_bar_t, alpha_bar_prev_t, sqrt_one_minus_alpha_bar_t, sigma_t], axis=0)

if __name__ == "__main__":
    import jax
    _d = setup_inputs()
    print(jax.jit(kernel)(*tuple(_d.values())))

</pallas_src>

<mosaic_0001>
#map = affine_map<(d0, d1) -> (0)>
#map1 = affine_map<(d0, d1) -> (0, 0)>
module attributes {stable_mosaic.version = 14 : i64} {
  func.func @_sched_gather(%arg0: i32, %arg1: i32, %arg2: memref<16384xi32, #tpu.memory_space<hbm>>, %arg3: memref<1000xf32, #tpu.memory_space<hbm>>, %arg4: memref<1000xf32, #tpu.memory_space<hbm>>, %arg5: memref<1000xf32, #tpu.memory_space<hbm>>, %arg6: memref<1000xf32, #tpu.memory_space<hbm>>, %arg7: memref<1000xf32, #tpu.memory_space<hbm>>, %arg8: memref<1000xf32, #tpu.memory_space<hbm>>, %arg9: memref<6x16384xf32, #tpu.memory_space<hbm>>, %arg10: memref<1024xi32, #tpu.memory_space<vmem>>, %arg11: memref<1000xf32, #tpu.memory_space<vmem>>, %arg12: memref<1000xf32, #tpu.memory_space<vmem>>, %arg13: memref<1000xf32, #tpu.memory_space<vmem>>, %arg14: memref<1000xf32, #tpu.memory_space<vmem>>, %arg15: memref<1000xf32, #tpu.memory_space<vmem>>, %arg16: memref<1000xf32, #tpu.memory_space<vmem>>, %arg17: memref<6x1024xf32, #tpu.memory_space<vmem>>, %arg18: memref<!tpu.dma_semaphore, #tpu.memory_space<semaphore_mem>>) attributes {dimension_semantics = [#tpu.dimension_semantics<core_parallel>, #tpu.dimension_semantics<subcore_parallel>], iteration_bounds = array<i64: 1, 16>, scalar_prefetch = 0 : i64, scratch_operands = 9 : i64, tpu.core_type = #tpu.core_type<sc_vector_subcore>, window_params = [{transform_indices = #map}, {transform_indices = #map}, {transform_indices = #map}, {transform_indices = #map}, {transform_indices = #map}, {transform_indices = #map}, {transform_indices = #map}, {transform_indices = #map1}]} {
    %mul3A = arith.constant 1 : i32
    %mul3A_0 = arith.muli %arg1, %mul3A : i32
    %add3A = arith.addi %mul3A_0, %arg0 : i32
    %mul3A_1 = arith.constant 1024 : i32
    %mul3A_2 = arith.muli %add3A, %mul3A_1 : i32
    %multiple_of3A = tpu.assume_multiple %mul3A_2, 1024 : i32
    %dma_start3A = tpu.memref_slice %arg2[%multiple_of3A] : memref<16384xi32, #tpu.memory_space<hbm>> -> memref<1024xi32, #tpu.memory_space<hbm>>
    %dma_start3A_3 = tpu.memref_slice %arg2[%multiple_of3A] : memref<16384xi32, #tpu.memory_space<hbm>> -> memref<1024xi32, #tpu.memory_space<hbm>>
    tpu.enqueue_dma source(%dma_start3A_3 : memref<1024xi32, #tpu.memory_space<hbm>>) target(%arg10 : memref<1024xi32, #tpu.memory_space<vmem>>) target_semaphore(%arg18 : memref<!tpu.dma_semaphore, #tpu.memory_space<semaphore_mem>>)
    tpu.enqueue_dma source(%arg3 : memref<1000xf32, #tpu.memory_space<hbm>>) target(%arg11 : memref<1000xf32, #tpu.memory_space<vmem>>) target_semaphore(%arg18 : memref<!tpu.dma_semaphore, #tpu.memory_space<semaphore_mem>>)
    tpu.enqueue_dma source(%arg4 : memref<1000xf32, #tpu.memory_space<hbm>>) target(%arg12 : memref<1000xf32, #tpu.memory_space<vmem>>) target_semaphore(%arg18 : memref<!tpu.dma_semaphore, #tpu.memory_space<semaphore_mem>>)
    tpu.enqueue_dma source(%arg5 : memref<1000xf32, #tpu.memory_space<hbm>>) target(%arg13 : memref<1000xf32, #tpu.memory_space<vmem>>) target_semaphore(%arg18 : memref<!tpu.dma_semaphore, #tpu.memory_space<semaphore_mem>>)
    tpu.enqueue_dma source(%arg6 : memref<1000xf32, #tpu.memory_space<hbm>>) target(%arg14 : memref<1000xf32, #tpu.memory_space<vmem>>) target_semaphore(%arg18 : memref<!tpu.dma_semaphore, #tpu.memory_space<semaphore_mem>>)
    tpu.enqueue_dma source(%arg7 : memref<1000xf32, #tpu.memory_space<hbm>>) target(%arg15 : memref<1000xf32, #tpu.memory_space<vmem>>) target_semaphore(%arg18 : memref<!tpu.dma_semaphore, #tpu.memory_space<semaphore_mem>>)
    tpu.enqueue_dma source(%arg8 : memref<1000xf32, #tpu.memory_space<hbm>>) target(%arg16 : memref<1000xf32, #tpu.memory_space<vmem>>) target_semaphore(%arg18 : memref<!tpu.dma_semaphore, #tpu.memory_space<semaphore_mem>>)
    %dma_wait3A = tpu.memref_slice %arg2[%multiple_of3A] : memref<16384xi32, #tpu.memory_space<hbm>> -> memref<1024xi32, #tpu.memory_space<hbm>>
    %dma_wait3A_4 = tpu.memref_slice %arg2[%multiple_of3A] : memref<16384xi32, #tpu.memory_space<hbm>> -> memref<1024xi32, #tpu.memory_space<hbm>>
    tpu.wait_dma2 semaphore(%arg18 : memref<!tpu.dma_semaphore, #tpu.memory_space<semaphore_mem>>) src(%dma_wait3A_4 : memref<1024xi32, #tpu.memory_space<hbm>>) dst(%arg10 : memref<1024xi32, #tpu.memory_space<vmem>>)
    tpu.wait_dma2 semaphore(%arg18 : memref<!tpu.dma_semaphore, #tpu.memory_space<semaphore_mem>>) src(%arg3 : memref<1000xf32, #tpu.memory_space<hbm>>) dst(%arg11 : memref<1000xf32, #tpu.memory_space<vmem>>)
    tpu.wait_dma2 semaphore(%arg18 : memref<!tpu.dma_semaphore, #tpu.memory_space<semaphore_mem>>) src(%arg4 : memref<1000xf32, #tpu.memory_space<hbm>>) dst(%arg12 : memref<1000xf32, #tpu.memory_space<vmem>>)
    tpu.wait_dma2 semaphore(%arg18 : memref<!tpu.dma_semaphore, #tpu.memory_space<semaphore_mem>>) src(%arg5 : memref<1000xf32, #tpu.memory_space<hbm>>) dst(%arg13 : memref<1000xf32, #tpu.memory_space<vmem>>)
    tpu.wait_dma2 semaphore(%arg18 : memref<!tpu.dma_semaphore, #tpu.memory_space<semaphore_mem>>) src(%arg6 : memref<1000xf32, #tpu.memory_space<hbm>>) dst(%arg14 : memref<1000xf32, #tpu.memory_space<vmem>>)
    tpu.wait_dma2 semaphore(%arg18 : memref<!tpu.dma_semaphore, #tpu.memory_space<semaphore_mem>>) src(%arg7 : memref<1000xf32, #tpu.memory_space<hbm>>) dst(%arg15 : memref<1000xf32, #tpu.memory_space<vmem>>)
    tpu.wait_dma2 semaphore(%arg18 : memref<!tpu.dma_semaphore, #tpu.memory_space<semaphore_mem>>) src(%arg8 : memref<1000xf32, #tpu.memory_space<hbm>>) dst(%arg16 : memref<1000xf32, #tpu.memory_space<vmem>>)
    %scan3A = arith.constant 0 : i32
    %scan3A_5 = arith.constant 0 : i32
    %scan3A_6 = arith.constant 32 : i32
    %scan3A_7 = arith.addi %scan3A_5, %scan3A_6 : i32
    %scan3A_8 = arith.constant 4 : i32
    scf.for %scan3A_58 = %scan3A_5 to %scan3A_7 step %scan3A_8  : i32 {
      %mul3A_59 = arith.constant 16 : i32
      %mul3A_60 = arith.muli %scan3A_58, %mul3A_59 : i32
      %multiple_of3A_61 = tpu.assume_multiple %mul3A_60, 16 : i32
      %get3A = arith.index_cast %multiple_of3A_61 : i32 to index
      %get3A_62 = tpu.vector_load %arg10[%get3A] {strides = array<i32>} : memref<1024xi32, #tpu.memory_space<vmem>>, vector<16xi32>,
      %gather3A = tpu.vector_load_idx %arg11[%get3A_62] : memref<1000xf32, #tpu.memory_space<vmem>>[vector<16xi32>], vector<16xf32>,
      %swap3A = arith.constant 0 : i32
      %swap3A_63 = arith.index_cast %swap3A : i32 to index
      %swap3A_64 = arith.index_cast %multiple_of3A_61 : i32 to index
      %swap3A_65 = tpu.vector_load %arg17[%swap3A_63, %swap3A_64] {strides = array<i32>} : memref<6x1024xf32, #tpu.memory_space<vmem>>, vector<16xf32>,
      tpu.vector_store %arg17[%swap3A_63, %swap3A_64], %gather3A {strides = array<i32>} : memref<6x1024xf32, #tpu.memory_space<vmem>>, vector<16xf32>,
      %gather3A_66 = tpu.vector_load_idx %arg12[%get3A_62] : memref<1000xf32, #tpu.memory_space<vmem>>[vector<16xi32>], vector<16xf32>,
      %swap3A_67 = arith.constant 1 : i32
      %swap3A_68 = arith.index_cast %swap3A_67 : i32 to index
      %swap3A_69 = arith.index_cast %multiple_of3A_61 : i32 to index
      %swap3A_70 = tpu.vector_load %arg17[%swap3A_68, %swap3A_69] {strides = array<i32>} : memref<6x1024xf32, #tpu.memory_space<vmem>>, vector<16xf32>,
      tpu.vector_store %arg17[%swap3A_68, %swap3A_69], %gather3A_66 {strides = array<i32>} : memref<6x1024xf32, #tpu.memory_space<vmem>>, vector<16xf32>,
      %gather3A_71 = tpu.vector_load_idx %arg13[%get3A_62] : memref<1000xf32, #tpu.memory_space<vmem>>[vector<16xi32>], vector<16xf32>,
      %swap3A_72 = arith.constant 2 : i32
      %swap3A_73 = arith.index_cast %swap3A_72 : i32 to index
      %swap3A_74 = arith.index_cast %multiple_of3A_61 : i32 to index
      %swap3A_75 = tpu.vector_load %arg17[%swap3A_73, %swap3A_74] {strides = array<i32>} : memref<6x1024xf32, #tpu.memory_space<vmem>>, vector<16xf32>,
      tpu.vector_store %arg17[%swap3A_73, %swap3A_74], %gather3A_71 {strides = array<i32>} : memref<6x1024xf32, #tpu.memory_space<vmem>>, vector<16xf32>,
      %gather3A_76 = tpu.vector_load_idx %arg14[%get3A_62] : memref<1000xf32, #tpu.memory_space<vmem>>[vector<16xi32>], vector<16xf32>,
      %swap3A_77 = arith.constant 3 : i32
      %swap3A_78 = arith.index_cast %swap3A_77 : i32 to index
      %swap3A_79 = arith.index_cast %multiple_of3A_61 : i32 to index
      %swap3A_80 = tpu.vector_load %arg17[%swap3A_78, %swap3A_79] {strides = array<i32>} : memref<6x1024xf32, #tpu.memory_space<vmem>>, vector<16xf32>,
      tpu.vector_store %arg17[%swap3A_78, %swap3A_79], %gather3A_76 {strides = array<i32>} : memref<6x1024xf32, #tpu.memory_space<vmem>>, vector<16xf32>,
      %gather3A_81 = tpu.vector_load_idx %arg15[%get3A_62] : memref<1000xf32, #tpu.memory_space<vmem>>[vector<16xi32>], vector<16xf32>,
      %swap3A_82 = arith.constant 4 : i32
      %swap3A_83 = arith.index_cast %swap3A_82 : i32 to index
      %swap3A_84 = arith.index_cast %multiple_of3A_61 : i32 to index
      %swap3A_85 = tpu.vector_load %arg17[%swap3A_83, %swap3A_84] {strides = array<i32>} : memref<6x1024xf32, #tpu.memory_space<vmem>>, vector<16xf32>,
      tpu.vector_store %arg17[%swap3A_83, %swap3A_84], %gather3A_81 {strides = array<i32>} : memref<6x1024xf32, #tpu.memory_space<vmem>>, vector<16xf32>,
      %gather3A_86 = tpu.vector_load_idx %arg16[%get3A_62] : memref<1000xf32, #tpu.memory_space<vmem>>[vector<16xi32>], vector<16xf32>,
      %swap3A_87 = arith.constant 5 : i32
      %swap3A_88 = arith.index_cast %swap3A_87 : i32 to index
      %swap3A_89 = arith.index_cast %multiple_of3A_61 : i32 to index
      %swap3A_90 = tpu.vector_load %arg17[%swap3A_88, %swap3A_89] {strides = array<i32>} : memref<6x1024xf32, #tpu.memory_space<vmem>>, vector<16xf32>,
      tpu.vector_store %arg17[%swap3A_88, %swap3A_89], %gather3A_86 {strides = array<i32>} : memref<6x1024xf32, #tpu.memory_space<vmem>>, vector<16xf32>,
      %scan3A_91 = arith.constant 1 : i32
      %scan3A_92 = arith.addi %scan3A_58, %scan3A_91 : i32
      %mul3A_93 = arith.constant 16 : i32
      %mul3A_94 = arith.muli %scan3A_92, %mul3A_93 : i32
      %multiple_of3A_95 = tpu.assume_multiple %mul3A_94, 16 : i32
      %get3A_96 = arith.index_cast %multiple_of3A_95 : i32 to index
      %get3A_97 = tpu.vector_load %arg10[%get3A_96] {strides = array<i32>} : memref<1024xi32, #tpu.memory_space<vmem>>, vector<16xi32>,
      %gather3A_98 = tpu.vector_load_idx %arg11[%get3A_97] : memref<1000xf32, #tpu.memory_space<vmem>>[vector<16xi32>], vector<16xf32>,
      %swap3A_99 = arith.constant 0 : i32
      %swap3A_100 = arith.index_cast %swap3A_99 : i32 to index
      %swap3A_101 = arith.index_cast %multiple_of3A_95 : i32 to index
      %swap3A_102 = tpu.vector_load %arg17[%swap3A_100, %swap3A_101] {strides = array<i32>} : memref<6x1024xf32, #tpu.memory_space<vmem>>, vector<16xf32>,
      tpu.vector_store %arg17[%swap3A_100, %swap3A_101], %gather3A_98 {strides = array<i32>} : memref<6x1024xf32, #tpu.memory_space<vmem>>, vector<16xf32>,
      %gather3A_103 = tpu.vector_load_idx %arg12[%get3A_97] : memref<1000xf32, #tpu.memory_space<vmem>>[vector<16xi32>], vector<16xf32>,
      %swap3A_104 = arith.constant 1 : i32
      %swap3A_105 = arith.index_cast %swap3A_104 : i32 to index
      %swap3A_106 = arith.index_cast %multiple_of3A_95 : i32 to index
      %swap3A_107 = tpu.vector_load %arg17[%swap3A_105, %swap3A_106] {strides = array<i32>} : memref<6x1024xf32, #tpu.memory_space<vmem>>, vector<16xf32>,
      tpu.vector_store %arg17[%swap3A_105, %swap3A_106], %gather3A_103 {strides = array<i32>} : memref<6x1024xf32, #tpu.memory_space<vmem>>, vector<16xf32>,
      %gather3A_108 = tpu.vector_load_idx %arg13[%get3A_97] : memref<1000xf32, #tpu.memory_space<vmem>>[vector<16xi32>], vector<16xf32>,
      %swap3A_109 = arith.constant 2 : i32
      %swap3A_110 = arith.index_cast %swap3A_109 : i32 to index
      %swap3A_111 = arith.index_cast %multiple_of3A_95 : i32 to index
      %swap3A_112 = tpu.vector_load %arg17[%swap3A_110, %swap3A_111] {strides = array<i32>} : memref<6x1024xf32, #tpu.memory_space<vmem>>, vector<16xf32>,
      tpu.vector_store %arg17[%swap3A_110, %swap3A_111], %gather3A_108 {strides = array<i32>} : memref<6x1024xf32, #tpu.memory_space<vmem>>, vector<16xf32>,
      %gather3A_113 = tpu.vector_load_idx %arg14[%get3A_97] : memref<1000xf32, #tpu.memory_space<vmem>>[vector<16xi32>], vector<16xf32>,
      %swap3A_114 = arith.constant 3 : i32
      %swap3A_115 = arith.index_cast %swap3A_114 : i32 to index
      %swap3A_116 = arith.index_cast %multiple_of3A_95 : i32 to index
      %swap3A_117 = tpu.vector_load %arg17[%swap3A_115, %swap3A_116] {strides = array<i32>} : memref<6x1024xf32, #tpu.memory_space<vmem>>, vector<16xf32>,
      tpu.vector_store %arg17[%swap3A_115, %swap3A_116], %gather3A_113 {strides = array<i32>} : memref<6x1024xf32, #tpu.memory_space<vmem>>, vector<16xf32>,
      %gather3A_118 = tpu.vector_load_idx %arg15[%get3A_97] : memref<1000xf32, #tpu.memory_space<vmem>>[vector<16xi32>], vector<16xf32>,
      %swap3A_119 = arith.constant 4 : i32
      %swap3A_120 = arith.index_cast %swap3A_119 : i32 to index
      %swap3A_121 = arith.index_cast %multiple_of3A_95 : i32 to index
      %swap3A_122 = tpu.vector_load %arg17[%swap3A_120, %swap3A_121] {strides = array<i32>} : memref<6x1024xf32, #tpu.memory_space<vmem>>, vector<16xf32>,
      tpu.vector_store %arg17[%swap3A_120, %swap3A_121], %gather3A_118 {strides = array<i32>} : memref<6x1024xf32, #tpu.memory_space<vmem>>, vector<16xf32>,
      %gather3A_123 = tpu.vector_load_idx %arg16[%get3A_97] : memref<1000xf32, #tpu.memory_space<vmem>>[vector<16xi32>], vector<16xf32>,
      %swap3A_124 = arith.constant 5 : i32
      %swap3A_125 = arith.index_cast %swap3A_124 : i32 to index
      %swap3A_126 = arith.index_cast %multiple_of3A_95 : i32 to index
      %swap3A_127 = tpu.vector_load %arg17[%swap3A_125, %swap3A_126] {strides = array<i32>} : memref<6x1024xf32, #tpu.memory_space<vmem>>, vector<16xf32>,
      tpu.vector_store %arg17[%swap3A_125, %swap3A_126], %gather3A_123 {strides = array<i32>} : memref<6x1024xf32, #tpu.memory_space<vmem>>, vector<16xf32>,
      %scan3A_128 = arith.constant 2 : i32
      %scan3A_129 = arith.addi %scan3A_58, %scan3A_128 : i32
      %mul3A_130 = arith.constant 16 : i32
      %mul3A_131 = arith.muli %scan3A_129, %mul3A_130 : i32
      %multiple_of3A_132 = tpu.assume_multiple %mul3A_131, 16 : i32
      %get3A_133 = arith.index_cast %multiple_of3A_132 : i32 to index
      %get3A_134 = tpu.vector_load %arg10[%get3A_133] {strides = array<i32>} : memref<1024xi32, #tpu.memory_space<vmem>>, vector<16xi32>,
      %gather3A_135 = tpu.vector_load_idx %arg11[%get3A_134] : memref<1000xf32, #tpu.memory_space<vmem>>[vector<16xi32>], vector<16xf32>,
      %swap3A_136 = arith.constant 0 : i32
      %swap3A_137 = arith.index_cast %swap3A_136 : i32 to index
      %swap3A_138 = arith.index_cast %multiple_of3A_132 : i32 to index
      %swap3A_139 = tpu.vector_load %arg17[%swap3A_137, %swap3A_138] {strides = array<i32>} : memref<6x1024xf32, #tpu.memory_space<vmem>>, vector<16xf32>,
      tpu.vector_store %arg17[%swap3A_137, %swap3A_138], %gather3A_135 {strides = array<i32>} : memref<6x1024xf32, #tpu.memory_space<vmem>>, vector<16xf32>,
      %gather3A_140 = tpu.vector_load_idx %arg12[%get3A_134] : memref<1000xf32, #tpu.memory_space<vmem>>[vector<16xi32>], vector<16xf32>,
      %swap3A_141 = arith.constant 1 : i32
      %swap3A_142 = arith.index_cast %swap3A_141 : i32 to index
      %swap3A_143 = arith.index_cast %multiple_of3A_132 : i32 to index
      %swap3A_144 = tpu.vector_load %arg17[%swap3A_142, %swap3A_143] {strides = array<i32>} : memref<6x1024xf32, #tpu.memory_space<vmem>>, vector<16xf32>,
      tpu.vector_store %arg17[%swap3A_142, %swap3A_143], %gather3A_140 {strides = array<i32>} : memref<6x1024xf32, #tpu.memory_space<vmem>>, vector<16xf32>,
      %gather3A_145 = tpu.vector_load_idx %arg13[%get3A_134] : memref<1000xf32, #tpu.memory_space<vmem>>[vector<16xi32>], vector<16xf32>,
      %swap3A_146 = arith.constant 2 : i32
      %swap3A_147 = arith.index_cast %swap3A_146 : i32 to index
      %swap3A_148 = arith.index_cast %multiple_of3A_132 : i32 to index
      %swap3A_149 = tpu.vector_load %arg17[%swap3A_147, %swap3A_148] {strides = array<i32>} : memref<6x1024xf32, #tpu.memory_space<vmem>>, vector<16xf32>,
      tpu.vector_store %arg17[%swap3A_147, %swap3A_148], %gather3A_145 {strides = array<i32>} : memref<6x1024xf32, #tpu.memory_space<vmem>>, vector<16xf32>,
      %gather3A_150 = tpu.vector_load_idx %arg14[%get3A_134] : memref<1000xf32, #tpu.memory_space<vmem>>[vector<16xi32>], vector<16xf32>,
      %swap3A_151 = arith.constant 3 : i32
      %swap3A_152 = arith.index_cast %swap3A_151 : i32 to index
      %swap3A_153 = arith.index_cast %multiple_of3A_132 : i32 to index
      %swap3A_154 = tpu.vector_load %arg17[%swap3A_152, %swap3A_153] {strides = array<i32>} : memref<6x1024xf32, #tpu.memory_space<vmem>>, vector<16xf32>,
      tpu.vector_store %arg17[%swap3A_152, %swap3A_153], %gather3A_150 {strides = array<i32>} : memref<6x1024xf32, #tpu.memory_space<vmem>>, vector<16xf32>,
      %gather3A_155 = tpu.vector_load_idx %arg15[%get3A_134] : memref<1000xf32, #tpu.memory_space<vmem>>[vector<16xi32>], vector<16xf32>,
      %swap3A_156 = arith.constant 4 : i32
      %swap3A_157 = arith.index_cast %swap3A_156 : i32 to index
      %swap3A_158 = arith.index_cast %multiple_of3A_132 : i32 to index
      %swap3A_159 = tpu.vector_load %arg17[%swap3A_157, %swap3A_158] {strides = array<i32>} : memref<6x1024xf32, #tpu.memory_space<vmem>>, vector<16xf32>,
      tpu.vector_store %arg17[%swap3A_157, %swap3A_158], %gather3A_155 {strides = array<i32>} : memref<6x1024xf32, #tpu.memory_space<vmem>>, vector<16xf32>,
      %gather3A_160 = tpu.vector_load_idx %arg16[%get3A_134] : memref<1000xf32, #tpu.memory_space<vmem>>[vector<16xi32>], vector<16xf32>,
      %swap3A_161 = arith.constant 5 : i32
      %swap3A_162 = arith.index_cast %swap3A_161 : i32 to index
      %swap3A_163 = arith.index_cast %multiple_of3A_132 : i32 to index
      %swap3A_164 = tpu.vector_load %arg17[%swap3A_162, %swap3A_163] {strides = array<i32>} : memref<6x1024xf32, #tpu.memory_space<vmem>>, vector<16xf32>,
      tpu.vector_store %arg17[%swap3A_162, %swap3A_163], %gather3A_160 {strides = array<i32>} : memref<6x1024xf32, #tpu.memory_space<vmem>>, vector<16xf32>,
      %scan3A_165 = arith.constant 3 : i32
      %scan3A_166 = arith.addi %scan3A_58, %scan3A_165 : i32
      %mul3A_167 = arith.constant 16 : i32
      %mul3A_168 = arith.muli %scan3A_166, %mul3A_167 : i32
      %multiple_of3A_169 = tpu.assume_multiple %mul3A_168, 16 : i32
      %get3A_170 = arith.index_cast %multiple_of3A_169 : i32 to index
      %get3A_171 = tpu.vector_load %arg10[%get3A_170] {strides = array<i32>} : memref<1024xi32, #tpu.memory_space<vmem>>, vector<16xi32>,
      %gather3A_172 = tpu.vector_load_idx %arg11[%get3A_171] : memref<1000xf32, #tpu.memory_space<vmem>>[vector<16xi32>], vector<16xf32>,
      %swap3A_173 = arith.constant 0 : i32
      %swap3A_174 = arith.index_cast %swap3A_173 : i32 to index
      %swap3A_175 = arith.index_cast %multiple_of3A_169 : i32 to index
      %swap3A_176 = tpu.vector_load %arg17[%swap3A_174, %swap3A_175] {strides = array<i32>} : memref<6x1024xf32, #tpu.memory_space<vmem>>, vector<16xf32>,
      tpu.vector_store %arg17[%swap3A_174, %swap3A_175], %gather3A_172 {strides = array<i32>} : memref<6x1024xf32, #tpu.memory_space<vmem>>, vector<16xf32>,
      %gather3A_177 = tpu.vector_load_idx %arg12[%get3A_171] : memref<1000xf32, #tpu.memory_space<vmem>>[vector<16xi32>], vector<16xf32>,
      %swap3A_178 = arith.constant 1 : i32
      %swap3A_179 = arith.index_cast %swap3A_178 : i32 to index
      %swap3A_180 = arith.index_cast %multiple_of3A_169 : i32 to index
      %swap3A_181 = tpu.vector_load %arg17[%swap3A_179, %swap3A_180] {strides = array<i32>} : memref<6x1024xf32, #tpu.memory_space<vmem>>, vector<16xf32>,
      tpu.vector_store %arg17[%swap3A_179, %swap3A_180], %gather3A_177 {strides = array<i32>} : memref<6x1024xf32, #tpu.memory_space<vmem>>, vector<16xf32>,
      %gather3A_182 = tpu.vector_load_idx %arg13[%get3A_171] : memref<1000xf32, #tpu.memory_space<vmem>>[vector<16xi32>], vector<16xf32>,
      %swap3A_183 = arith.constant 2 : i32
      %swap3A_184 = arith.index_cast %swap3A_183 : i32 to index
      %swap3A_185 = arith.index_cast %multiple_of3A_169 : i32 to index
      %swap3A_186 = tpu.vector_load %arg17[%swap3A_184, %swap3A_185] {strides = array<i32>} : memref<6x1024xf32, #tpu.memory_space<vmem>>, vector<16xf32>,
      tpu.vector_store %arg17[%swap3A_184, %swap3A_185], %gather3A_182 {strides = array<i32>} : memref<6x1024xf32, #tpu.memory_space<vmem>>, vector<16xf32>,
      %gather3A_187 = tpu.vector_load_idx %arg14[%get3A_171] : memref<1000xf32, #tpu.memory_space<vmem>>[vector<16xi32>], vector<16xf32>,
      %swap3A_188 = arith.constant 3 : i32
      %swap3A_189 = arith.index_cast %swap3A_188 : i32 to index
      %swap3A_190 = arith.index_cast %multiple_of3A_169 : i32 to index
      %swap3A_191 = tpu.vector_load %arg17[%swap3A_189, %swap3A_190] {strides = array<i32>} : memref<6x1024xf32, #tpu.memory_space<vmem>>, vector<16xf32>,
      tpu.vector_store %arg17[%swap3A_189, %swap3A_190], %gather3A_187 {strides = array<i32>} : memref<6x1024xf32, #tpu.memory_space<vmem>>, vector<16xf32>,
      %gather3A_192 = tpu.vector_load_idx %arg15[%get3A_171] : memref<1000xf32, #tpu.memory_space<vmem>>[vector<16xi32>], vector<16xf32>,
      %swap3A_193 = arith.constant 4 : i32
      %swap3A_194 = arith.index_cast %swap3A_193 : i32 to index
      %swap3A_195 = arith.index_cast %multiple_of3A_169 : i32 to index
      %swap3A_196 = tpu.vector_load %arg17[%swap3A_194, %swap3A_195] {strides = array<i32>} : memref<6x1024xf32, #tpu.memory_space<vmem>>, vector<16xf32>,
      tpu.vector_store %arg17[%swap3A_194, %swap3A_195], %gather3A_192 {strides = array<i32>} : memref<6x1024xf32, #tpu.memory_space<vmem>>, vector<16xf32>,
      %gather3A_197 = tpu.vector_load_idx %arg16[%get3A_171] : memref<1000xf32, #tpu.memory_space<vmem>>[vector<16xi32>], vector<16xf32>,
      %swap3A_198 = arith.constant 5 : i32
      %swap3A_199 = arith.index_cast %swap3A_198 : i32 to index
      %swap3A_200 = arith.index_cast %multiple_of3A_169 : i32 to index
      %swap3A_201 = tpu.vector_load %arg17[%swap3A_199, %swap3A_200] {strides = array<i32>} : memref<6x1024xf32, #tpu.memory_space<vmem>>, vector<16xf32>,
      tpu.vector_store %arg17[%swap3A_199, %swap3A_200], %gather3A_197 {strides = array<i32>} : memref<6x1024xf32, #tpu.memory_space<vmem>>, vector<16xf32>,
    }
    %scan3A_9 = arith.constant 32 : i32
    %dma_start3A_10 = arith.constant 0 : i32
    %dma_start3A_11 = arith.constant 0 : i32
    %dma_start3A_12 = tpu.memref_slice %arg17[%dma_start3A_10, %dma_start3A_11] : memref<6x1024xf32, #tpu.memory_space<vmem>> -> memref<6x512xf32, #tpu.memory_space<vmem>>
    %dma_start3A_13 = arith.constant 0 : i32
    %dma_start3A_14 = tpu.memref_slice %arg9[%dma_start3A_13, %multiple_of3A] : memref<6x16384xf32, #tpu.memory_space<hbm>> -> memref<6x512xf32, #tpu.memory_space<hbm>>
    %dma_start3A_15 = arith.constant 0 : i32
    %dma_start3A_16 = tpu.memref_slice %arg9[%dma_start3A_15, %multiple_of3A] : memref<6x16384xf32, #tpu.memory_space<hbm>> -> memref<6x512xf32, #tpu.memory_space<hbm>>
    %dma_start3A_17 = arith.constant 0 : i32
    %dma_start3A_18 = arith.constant 0 : i32
    %dma_start3A_19 = tpu.memref_slice %arg17[%dma_start3A_17, %dma_start3A_18] : memref<6x1024xf32, #tpu.memory_space<vmem>> -> memref<6x512xf32, #tpu.memory_space<vmem>>
    tpu.enqueue_dma source(%dma_start3A_19 : memref<6x512xf32, #tpu.memory_space<vmem>>) target(%dma_start3A_16 : memref<6x512xf32, #tpu.memory_space<hbm>>) target_semaphore(%arg18 : memref<!tpu.dma_semaphore, #tpu.memory_space<semaphore_mem>>)
    %scan3A_20 = arith.constant 0 : i32
    %scan3A_21 = arith.constant 32 : i32
    %scan3A_22 = arith.constant 32 : i32
    %scan3A_23 = arith.addi %scan3A_21, %scan3A_22 : i32
    %scan3A_24 = arith.constant 4 : i32
    scf.for %scan3A_58 = %scan3A_21 to %scan3A_23 step %scan3A_24  : i32 {
      %mul3A_59 = arith.constant 16 : i32
      %mul3A_60 = arith.muli %scan3A_58, %mul3A_59 : i32
      %multiple_of3A_61 = tpu.assume_multiple %mul3A_60, 16 : i32
      %get3A = arith.index_cast %multiple_of3A_61 : i32 to index
      %get3A_62 = tpu.vector_load %arg10[%get3A] {strides = array<i32>} : memref<1024xi32, #tpu.memory_space<vmem>>, vector<16xi32>,
      %gather3A = tpu.vector_load_idx %arg11[%get3A_62] : memref<1000xf32, #tpu.memory_space<vmem>>[vector<16xi32>], vector<16xf32>,
      %swap3A = arith.constant 0 : i32
      %swap3A_63 = arith.index_cast %swap3A : i32 to index
      %swap3A_64 = arith.index_cast %multiple_of3A_61 : i32 to index
      %swap3A_65 = tpu.vector_load %arg17[%swap3A_63, %swap3A_64] {strides = array<i32>} : memref<6x1024xf32, #tpu.memory_space<vmem>>, vector<16xf32>,
      tpu.vector_store %arg17[%swap3A_63, %swap3A_64], %gather3A {strides = array<i32>} : memref<6x1024xf32, #tpu.memory_space<vmem>>, vector<16xf32>,
      %gather3A_66 = tpu.vector_load_idx %arg12[%get3A_62] : memref<1000xf32, #tpu.memory_space<vmem>>[vector<16xi32>], vector<16xf32>,
      %swap3A_67 = arith.constant 1 : i32
      %swap3A_68 = arith.index_cast %swap3A_67 : i32 to index
      %swap3A_69 = arith.index_cast %multiple_of3A_61 : i32 to index
      %swap3A_70 = tpu.vector_load %arg17[%swap3A_68, %swap3A_69] {strides = array<i32>} : memref<6x1024xf32, #tpu.memory_space<vmem>>, vector<16xf32>,
      tpu.vector_store %arg17[%swap3A_68, %swap3A_69], %gather3A_66 {strides = array<i32>} : memref<6x1024xf32, #tpu.memory_space<vmem>>, vector<16xf32>,
      %gather3A_71 = tpu.vector_load_idx %arg13[%get3A_62] : memref<1000xf32, #tpu.memory_space<vmem>>[vector<16xi32>], vector<16xf32>,
      %swap3A_72 = arith.constant 2 : i32
      %swap3A_73 = arith.index_cast %swap3A_72 : i32 to index
      %swap3A_74 = arith.index_cast %multiple_of3A_61 : i32 to index
      %swap3A_75 = tpu.vector_load %arg17[%swap3A_73, %swap3A_74] {strides = array<i32>} : memref<6x1024xf32, #tpu.memory_space<vmem>>, vector<16xf32>,
      tpu.vector_store %arg17[%swap3A_73, %swap3A_74], %gather3A_71 {strides = array<i32>} : memref<6x1024xf32, #tpu.memory_space<vmem>>, vector<16xf32>,
      %gather3A_76 = tpu.vector_load_idx %arg14[%get3A_62] : memref<1000xf32, #tpu.memory_space<vmem>>[vector<16xi32>], vector<16xf32>,
      %swap3A_77 = arith.constant 3 : i32
      %swap3A_78 = arith.index_cast %swap3A_77 : i32 to index
      %swap3A_79 = arith.index_cast %multiple_of3A_61 : i32 to index
      %swap3A_80 = tpu.vector_load %arg17[%swap3A_78, %swap3A_79] {strides = array<i32>} : memref<6x1024xf32, #tpu.memory_space<vmem>>, vector<16xf32>,
      tpu.vector_store %arg17[%swap3A_78, %swap3A_79], %gather3A_76 {strides = array<i32>} : memref<6x1024xf32, #tpu.memory_space<vmem>>, vector<16xf32>,
      %gather3A_81 = tpu.vector_load_idx %arg15[%get3A_62] : memref<1000xf32, #tpu.memory_space<vmem>>[vector<16xi32>], vector<16xf32>,
      %swap3A_82 = arith.constant 4 : i32
      %swap3A_83 = arith.index_cast %swap3A_82 : i32 to index
      %swap3A_84 = arith.index_cast %multiple_of3A_61 : i32 to index
      %swap3A_85 = tpu.vector_load %arg17[%swap3A_83, %swap3A_84] {strides = array<i32>} : memref<6x1024xf32, #tpu.memory_space<vmem>>, vector<16xf32>,
      tpu.vector_store %arg17[%swap3A_83, %swap3A_84], %gather3A_81 {strides = array<i32>} : memref<6x1024xf32, #tpu.memory_space<vmem>>, vector<16xf32>,
      %gather3A_86 = tpu.vector_load_idx %arg16[%get3A_62] : memref<1000xf32, #tpu.memory_space<vmem>>[vector<16xi32>], vector<16xf32>,
      %swap3A_87 = arith.constant 5 : i32
      %swap3A_88 = arith.index_cast %swap3A_87 : i32 to index
      %swap3A_89 = arith.index_cast %multiple_of3A_61 : i32 to index
      %swap3A_90 = tpu.vector_load %arg17[%swap3A_88, %swap3A_89] {strides = array<i32>} : memref<6x1024xf32, #tpu.memory_space<vmem>>, vector<16xf32>,
      tpu.vector_store %arg17[%swap3A_88, %swap3A_89], %gather3A_86 {strides = array<i32>} : memref<6x1024xf32, #tpu.memory_space<vmem>>, vector<16xf32>,
      %scan3A_91 = arith.constant 1 : i32
      %scan3A_92 = arith.addi %scan3A_58, %scan3A_91 : i32
      %mul3A_93 = arith.constant 16 : i32
      %mul3A_94 = arith.muli %scan3A_92, %mul3A_93 : i32
      %multiple_of3A_95 = tpu.assume_multiple %mul3A_94, 16 : i32
      %get3A_96 = arith.index_cast %multiple_of3A_95 : i32 to index
      %get3A_97 = tpu.vector_load %arg10[%get3A_96] {strides = array<i32>} : memref<1024xi32, #tpu.memory_space<vmem>>, vector<16xi32>,
      %gather3A_98 = tpu.vector_load_idx %arg11[%get3A_97] : memref<1000xf32, #tpu.memory_space<vmem>>[vector<16xi32>], vector<16xf32>,
      %swap3A_99 = arith.constant 0 : i32
      %swap3A_100 = arith.index_cast %swap3A_99 : i32 to index
      %swap3A_101 = arith.index_cast %multiple_of3A_95 : i32 to index
      %swap3A_102 = tpu.vector_load %arg17[%swap3A_100, %swap3A_101] {strides = array<i32>} : memref<6x1024xf32, #tpu.memory_space<vmem>>, vector<16xf32>,
      tpu.vector_store %arg17[%swap3A_100, %swap3A_101], %gather3A_98 {strides = array<i32>} : memref<6x1024xf32, #tpu.memory_space<vmem>>, vector<16xf32>,
      %gather3A_103 = tpu.vector_load_idx %arg12[%get3A_97] : memref<1000xf32, #tpu.memory_space<vmem>>[vector<16xi32>], vector<16xf32>,
      %swap3A_104 = arith.constant 1 : i32
      %swap3A_105 = arith.index_cast %swap3A_104 : i32 to index
      %swap3A_106 = arith.index_cast %multiple_of3A_95 : i32 to index
      %swap3A_107 = tpu.vector_load %arg17[%swap3A_105, %swap3A_106] {strides = array<i32>} : memref<6x1024xf32, #tpu.memory_space<vmem>>, vector<16xf32>,
      tpu.vector_store %arg17[%swap3A_105, %swap3A_106], %gather3A_103 {strides = array<i32>} : memref<6x1024xf32, #tpu.memory_space<vmem>>, vector<16xf32>,
      %gather3A_108 = tpu.vector_load_idx %arg13[%get3A_97] : memref<1000xf32, #tpu.memory_space<vmem>>[vector<16xi32>], vector<16xf32>,
      %swap3A_109 = arith.constant 2 : i32
      %swap3A_110 = arith.index_cast %swap3A_109 : i32 to index
      %swap3A_111 = arith.index_cast %multiple_of3A_95 : i32 to index
      %swap3A_112 = tpu.vector_load %arg17[%swap3A_110, %swap3A_111] {strides = array<i32>} : memref<6x1024xf32, #tpu.memory_space<vmem>>, vector<16xf32>,
      tpu.vector_store %arg17[%swap3A_110, %swap3A_111], %gather3A_108 {strides = array<i32>} : memref<6x1024xf32, #tpu.memory_space<vmem>>, vector<16xf32>,
      %gather3A_113 = tpu.vector_load_idx %arg14[%get3A_97] : memref<1000xf32, #tpu.memory_space<vmem>>[vector<16xi32>], vector<16xf32>,
      %swap3A_114 = arith.constant 3 : i32
      %swap3A_115 = arith.index_cast %swap3A_114 : i32 to index
      %swap3A_116 = arith.index_cast %multiple_of3A_95 : i32 to index
      %swap3A_117 = tpu.vector_load %arg17[%swap3A_115, %swap3A_116] {strides = array<i32>} : memref<6x1024xf32, #tpu.memory_space<vmem>>, vector<16xf32>,
      tpu.vector_store %arg17[%swap3A_115, %swap3A_116], %gather3A_113 {strides = array<i32>} : memref<6x1024xf32, #tpu.memory_space<vmem>>, vector<16xf32>,
      %gather3A_118 = tpu.vector_load_idx %arg15[%get3A_97] : memref<1000xf32, #tpu.memory_space<vmem>>[vector<16xi32>], vector<16xf32>,
      %swap3A_119 = arith.constant 4 : i32
      %swap3A_120 = arith.index_cast %swap3A_119 : i32 to index
      %swap3A_121 = arith.index_cast %multiple_of3A_95 : i32 to index
      %swap3A_122 = tpu.vector_load %arg17[%swap3A_120, %swap3A_121] {strides = array<i32>} : memref<6x1024xf32, #tpu.memory_space<vmem>>, vector<16xf32>,
      tpu.vector_store %arg17[%swap3A_120, %swap3A_121], %gather3A_118 {strides = array<i32>} : memref<6x1024xf32, #tpu.memory_space<vmem>>, vector<16xf32>,
      %gather3A_123 = tpu.vector_load_idx %arg16[%get3A_97] : memref<1000xf32, #tpu.memory_space<vmem>>[vector<16xi32>], vector<16xf32>,
      %swap3A_124 = arith.constant 5 : i32
      %swap3A_125 = arith.index_cast %swap3A_124 : i32 to index
      %swap3A_126 = arith.index_cast %multiple_of3A_95 : i32 to index
      %swap3A_127 = tpu.vector_load %arg17[%swap3A_125, %swap3A_126] {strides = array<i32>} : memref<6x1024xf32, #tpu.memory_space<vmem>>, vector<16xf32>,
      tpu.vector_store %arg17[%swap3A_125, %swap3A_126], %gather3A_123 {strides = array<i32>} : memref<6x1024xf32, #tpu.memory_space<vmem>>, vector<16xf32>,
      %scan3A_128 = arith.constant 2 : i32
      %scan3A_129 = arith.addi %scan3A_58, %scan3A_128 : i32
      %mul3A_130 = arith.constant 16 : i32
      %mul3A_131 = arith.muli %scan3A_129, %mul3A_130 : i32
      %multiple_of3A_132 = tpu.assume_multiple %mul3A_131, 16 : i32
      %get3A_133 = arith.index_cast %multiple_of3A_132 : i32 to index
      %get3A_134 = tpu.vector_load %arg10[%get3A_133] {strides = array<i32>} : memref<1024xi32, #tpu.memory_space<vmem>>, vector<16xi32>,
      %gather3A_135 = tpu.vector_load_idx %arg11[%get3A_134] : memref<1000xf32, #tpu.memory_space<vmem>>[vector<16xi32>], vector<16xf32>,
      %swap3A_136 = arith.constant 0 : i32
      %swap3A_137 = arith.index_cast %swap3A_136 : i32 to index
      %swap3A_138 = arith.index_cast %multiple_of3A_132 : i32 to index
      %swap3A_139 = tpu.vector_load %arg17[%swap3A_137, %swap3A_138] {strides = array<i32>} : memref<6x1024xf32, #tpu.memory_space<vmem>>, vector<16xf32>,
      tpu.vector_store %arg17[%swap3A_137, %swap3A_138], %gather3A_135 {strides = array<i32>} : memref<6x1024xf32, #tpu.memory_space<vmem>>, vector<16xf32>,
      %gather3A_140 = tpu.vector_load_idx %arg12[%get3A_134] : memref<1000xf32, #tpu.memory_space<vmem>>[vector<16xi32>], vector<16xf32>,
      %swap3A_141 = arith.constant 1 : i32
      %swap3A_142 = arith.index_cast %swap3A_141 : i32 to index
      %swap3A_143 = arith.index_cast %multiple_of3A_132 : i32 to index
      %swap3A_144 = tpu.vector_load %arg17[%swap3A_142, %swap3A_143] {strides = array<i32>} : memref<6x1024xf32, #tpu.memory_space<vmem>>, vector<16xf32>,
      tpu.vector_store %arg17[%swap3A_142, %swap3A_143], %gather3A_140 {strides = array<i32>} : memref<6x1024xf32, #tpu.memory_space<vmem>>, vector<16xf32>,
      %gather3A_145 = tpu.vector_load_idx %arg13[%get3A_134] : memref<1000xf32, #tpu.memory_space<vmem>>[vector<16xi32>], vector<16xf32>,
      %swap3A_146 = arith.constant 2 : i32
      %swap3A_147 = arith.index_cast %swap3A_146 : i32 to index
      %swap3A_148 = arith.index_cast %multiple_of3A_132 : i32 to index
      %swap3A_149 = tpu.vector_load %arg17[%swap3A_147, %swap3A_148] {strides = array<i32>} : memref<6x1024xf32, #tpu.memory_space<vmem>>, vector<16xf32>,
      tpu.vector_store %arg17[%swap3A_147, %swap3A_148], %gather3A_145 {strides = array<i32>} : memref<6x1024xf32, #tpu.memory_space<vmem>>, vector<16xf32>,
      %gather3A_150 = tpu.vector_load_idx %arg14[%get3A_134] : memref<1000xf32, #tpu.memory_space<vmem>>[vector<16xi32>], vector<16xf32>,
      %swap3A_151 = arith.constant 3 : i32
      %swap3A_152 = arith.index_cast %swap3A_151 : i32 to index
      %swap3A_153 = arith.index_cast %multiple_of3A_132 : i32 to index
      %swap3A_154 = tpu.vector_load %arg17[%swap3A_152, %swap3A_153] {strides = array<i32>} : memref<6x1024xf32, #tpu.memory_space<vmem>>, vector<16xf32>,
      tpu.vector_store %arg17[%swap3A_152, %swap3A_153], %gather3A_150 {strides = array<i32>} : memref<6x1024xf32, #tpu.memory_space<vmem>>, vector<16xf32>,
      %gather3A_155 = tpu.vector_load_idx %arg15[%get3A_134] : memref<1000xf32, #tpu.memory_space<vmem>>[vector<16xi32>], vector<16xf32>,
      %swap3A_156 = arith.constant 4 : i32
      %swap3A_157 = arith.index_cast %swap3A_156 : i32 to index
      %swap3A_158 = arith.index_cast %multiple_of3A_132 : i32 to index
      %swap3A_159 = tpu.vector_load %arg17[%swap3A_157, %swap3A_158] {strides = array<i32>} : memref<6x1024xf32, #tpu.memory_space<vmem>>, vector<16xf32>,
      tpu.vector_store %arg17[%swap3A_157, %swap3A_158], %gather3A_155 {strides = array<i32>} : memref<6x1024xf32, #tpu.memory_space<vmem>>, vector<16xf32>,
      %gather3A_160 = tpu.vector_load_idx %arg16[%get3A_134] : memref<1000xf32, #tpu.memory_space<vmem>>[vector<16xi32>], vector<16xf32>,
      %swap3A_161 = arith.constant 5 : i32
      %swap3A_162 = arith.index_cast %swap3A_161 : i32 to index
      %swap3A_163 = arith.index_cast %multiple_of3A_132 : i32 to index
      %swap3A_164 = tpu.vector_load %arg17[%swap3A_162, %swap3A_163] {strides = array<i32>} : memref<6x1024xf32, #tpu.memory_space<vmem>>, vector<16xf32>,
      tpu.vector_store %arg17[%swap3A_162, %swap3A_163], %gather3A_160 {strides = array<i32>} : memref<6x1024xf32, #tpu.memory_space<vmem>>, vector<16xf32>,
      %scan3A_165 = arith.constant 3 : i32
      %scan3A_166 = arith.addi %scan3A_58, %scan3A_165 : i32
      %mul3A_167 = arith.constant 16 : i32
      %mul3A_168 = arith.muli %scan3A_166, %mul3A_167 : i32
      %multiple_of3A_169 = tpu.assume_multiple %mul3A_168, 16 : i32
      %get3A_170 = arith.index_cast %multiple_of3A_169 : i32 to index
      %get3A_171 = tpu.vector_load %arg10[%get3A_170] {strides = array<i32>} : memref<1024xi32, #tpu.memory_space<vmem>>, vector<16xi32>,
      %gather3A_172 = tpu.vector_load_idx %arg11[%get3A_171] : memref<1000xf32, #tpu.memory_space<vmem>>[vector<16xi32>], vector<16xf32>,
      %swap3A_173 = arith.constant 0 : i32
      %swap3A_174 = arith.index_cast %swap3A_173 : i32 to index
      %swap3A_175 = arith.index_cast %multiple_of3A_169 : i32 to index
      %swap3A_176 = tpu.vector_load %arg17[%swap3A_174, %swap3A_175] {strides = array<i32>} : memref<6x1024xf32, #tpu.memory_space<vmem>>, vector<16xf32>,
      tpu.vector_store %arg17[%swap3A_174, %swap3A_175], %gather3A_172 {strides = array<i32>} : memref<6x1024xf32, #tpu.memory_space<vmem>>, vector<16xf32>,
      %gather3A_177 = tpu.vector_load_idx %arg12[%get3A_171] : memref<1000xf32, #tpu.memory_space<vmem>>[vector<16xi32>], vector<16xf32>,
      %swap3A_178 = arith.constant 1 : i32
      %swap3A_179 = arith.index_cast %swap3A_178 : i32 to index
      %swap3A_180 = arith.index_cast %multiple_of3A_169 : i32 to index
      %swap3A_181 = tpu.vector_load %arg17[%swap3A_179, %swap3A_180] {strides = array<i32>} : memref<6x1024xf32, #tpu.memory_space<vmem>>, vector<16xf32>,
      tpu.vector_store %arg17[%swap3A_179, %swap3A_180], %gather3A_177 {strides = array<i32>} : memref<6x1024xf32, #tpu.memory_space<vmem>>, vector<16xf32>,
      %gather3A_182 = tpu.vector_load_idx %arg13[%get3A_171] : memref<1000xf32, #tpu.memory_space<vmem>>[vector<16xi32>], vector<16xf32>,
      %swap3A_183 = arith.constant 2 : i32
      %swap3A_184 = arith.index_cast %swap3A_183 : i32 to index
      %swap3A_185 = arith.index_cast %multiple_of3A_169 : i32 to index
      %swap3A_186 = tpu.vector_load %arg17[%swap3A_184, %swap3A_185] {strides = array<i32>} : memref<6x1024xf32, #tpu.memory_space<vmem>>, vector<16xf32>,
      tpu.vector_store %arg17[%swap3A_184, %swap3A_185], %gather3A_182 {strides = array<i32>} : memref<6x1024xf32, #tpu.memory_space<vmem>>, vector<16xf32>,
      %gather3A_187 = tpu.vector_load_idx %arg14[%get3A_171] : memref<1000xf32, #tpu.memory_space<vmem>>[vector<16xi32>], vector<16xf32>,
      %swap3A_188 = arith.constant 3 : i32
      %swap3A_189 = arith.index_cast %swap3A_188 : i32 to index
      %swap3A_190 = arith.index_cast %multiple_of3A_169 : i32 to index
      %swap3A_191 = tpu.vector_load %arg17[%swap3A_189, %swap3A_190] {strides = array<i32>} : memref<6x1024xf32, #tpu.memory_space<vmem>>, vector<16xf32>,
      tpu.vector_store %arg17[%swap3A_189, %swap3A_190], %gather3A_187 {strides = array<i32>} : memref<6x1024xf32, #tpu.memory_space<vmem>>, vector<16xf32>,
      %gather3A_192 = tpu.vector_load_idx %arg15[%get3A_171] : memref<1000xf32, #tpu.memory_space<vmem>>[vector<16xi32>], vector<16xf32>,
      %swap3A_193 = arith.constant 4 : i32
      %swap3A_194 = arith.index_cast %swap3A_193 : i32 to index
      %swap3A_195 = arith.index_cast %multiple_of3A_169 : i32 to index
      %swap3A_196 = tpu.vector_load %arg17[%swap3A_194, %swap3A_195] {strides = array<i32>} : memref<6x1024xf32, #tpu.memory_space<vmem>>, vector<16xf32>,
      tpu.vector_store %arg17[%swap3A_194, %swap3A_195], %gather3A_192 {strides = array<i32>} : memref<6x1024xf32, #tpu.memory_space<vmem>>, vector<16xf32>,
      %gather3A_197 = tpu.vector_load_idx %arg16[%get3A_171] : memref<1000xf32, #tpu.memory_space<vmem>>[vector<16xi32>], vector<16xf32>,
      %swap3A_198 = arith.constant 5 : i32
      %swap3A_199 = arith.index_cast %swap3A_198 : i32 to index
      %swap3A_200 = arith.index_cast %multiple_of3A_169 : i32 to index
      %swap3A_201 = tpu.vector_load %arg17[%swap3A_199, %swap3A_200] {strides = array<i32>} : memref<6x1024xf32, #tpu.memory_space<vmem>>, vector<16xf32>,
      tpu.vector_store %arg17[%swap3A_199, %swap3A_200], %gather3A_197 {strides = array<i32>} : memref<6x1024xf32, #tpu.memory_space<vmem>>, vector<16xf32>,
    }
    %scan3A_25 = arith.constant 32 : i32
    %add3A_26 = arith.constant 512 : i32
    %add3A_27 = arith.addi %multiple_of3A, %add3A_26 : i32
    %dma_start3A_28 = arith.constant 0 : i32
    %dma_start3A_29 = arith.constant 512 : i32
    %dma_start3A_30 = tpu.memref_slice %arg17[%dma_start3A_28, %dma_start3A_29] : memref<6x1024xf32, #tpu.memory_space<vmem>> -> memref<6x512xf32, #tpu.memory_space<vmem>>
    %dma_start3A_31 = arith.constant 0 : i32
    %dma_start3A_32 = tpu.memref_slice %arg9[%dma_start3A_31, %add3A_27] : memref<6x16384xf32, #tpu.memory_space<hbm>> -> memref<6x512xf32, #tpu.memory_space<hbm>>
    %dma_start3A_33 = arith.constant 0 : i32
    %dma_start3A_34 = tpu.memref_slice %arg9[%dma_start3A_33, %add3A_27] : memref<6x16384xf32, #tpu.memory_space<hbm>> -> memref<6x512xf32, #tpu.memory_space<hbm>>
    %dma_start3A_35 = arith.constant 0 : i32
    %dma_start3A_36 = arith.constant 512 : i32
    %dma_start3A_37 = tpu.memref_slice %arg17[%dma_start3A_35, %dma_start3A_36] : memref<6x1024xf32, #tpu.memory_space<vmem>> -> memref<6x512xf32, #tpu.memory_space<vmem>>
    tpu.enqueue_dma source(%dma_start3A_37 : memref<6x512xf32, #tpu.memory_space<vmem>>) target(%dma_start3A_34 : memref<6x512xf32, #tpu.memory_space<hbm>>) target_semaphore(%arg18 : memref<!tpu.dma_semaphore, #tpu.memory_space<semaphore_mem>>)
    %dma_wait3A_38 = arith.constant 0 : i32
    %dma_wait3A_39 = arith.constant 0 : i32
    %dma_wait3A_40 = tpu.memref_slice %arg17[%dma_wait3A_38, %dma_wait3A_39] : memref<6x1024xf32, #tpu.memory_space<vmem>> -> memref<6x512xf32, #tpu.memory_space<vmem>>
    %dma_wait3A_41 = arith.constant 0 : i32
    %dma_wait3A_42 = tpu.memref_slice %arg9[%dma_wait3A_41, %multiple_of3A] : memref<6x16384xf32, #tpu.memory_space<hbm>> -> memref<6x512xf32, #tpu.memory_space<hbm>>
    %dma_wait3A_43 = arith.constant 0 : i32
    %dma_wait3A_44 = tpu.memref_slice %arg9[%dma_wait3A_43, %multiple_of3A] : memref<6x16384xf32, #tpu.memory_space<hbm>> -> memref<6x512xf32, #tpu.memory_space<hbm>>
    %dma_wait3A_45 = arith.constant 0 : i32
    %dma_wait3A_46 = arith.constant 0 : i32
    %dma_wait3A_47 = tpu.memref_slice %arg17[%dma_wait3A_45, %dma_wait3A_46] : memref<6x1024xf32, #tpu.memory_space<vmem>> -> memref<6x512xf32, #tpu.memory_space<vmem>>
    tpu.wait_dma2 semaphore(%arg18 : memref<!tpu.dma_semaphore, #tpu.memory_space<semaphore_mem>>) src(%dma_wait3A_47 : memref<6x512xf32, #tpu.memory_space<vmem>>) dst(%dma_wait3A_44 : memref<6x512xf32, #tpu.memory_space<hbm>>)
    %dma_wait3A_48 = arith.constant 0 : i32
    %dma_wait3A_49 = arith.constant 512 : i32
    %dma_wait3A_50 = tpu.memref_slice %arg17[%dma_wait3A_48, %dma_wait3A_49] : memref<6x1024xf32, #tpu.memory_space<vmem>> -> memref<6x512xf32, #tpu.memory_space<vmem>>
    %dma_wait3A_51 = arith.constant 0 : i32
    %dma_wait3A_52 = tpu.memref_slice %arg9[%dma_wait3A_51, %add3A_27] : memref<6x16384xf32, #tpu.memory_space<hbm>> -> memref<6x512xf32, #tpu.memory_space<hbm>>
    %dma_wait3A_53 = arith.constant 0 : i32
    %dma_wait3A_54 = tpu.memref_slice %arg9[%dma_wait3A_53, %add3A_27] : memref<6x16384xf32, #tpu.memory_space<hbm>> -> memref<6x512xf32, #tpu.memory_space<hbm>>
    %dma_wait3A_55 = arith.constant 0 : i32
    %dma_wait3A_56 = arith.constant 512 : i32
    %dma_wait3A_57 = tpu.memref_slice %arg17[%dma_wait3A_55, %dma_wait3A_56] : memref<6x1024xf32, #tpu.memory_space<vmem>> -> memref<6x512xf32, #tpu.memory_space<vmem>>
    tpu.wait_dma2 semaphore(%arg18 : memref<!tpu.dma_semaphore, #tpu.memory_space<semaphore_mem>>) src(%dma_wait3A_57 : memref<6x512xf32, #tpu.memory_space<vmem>>) dst(%dma_wait3A_54 : memref<6x512xf32, #tpu.memory_space<hbm>>)
    return
  }
}

</mosaic_0001>

<sc_bundles>
// kernel: kernel.3.cloned.1.call-start
scs
__scs_entry_jumppad:
0x0: {  	(pc) =	sbr.rel $0x88, $3  }
0x1: {  	(tag) =	ssettag $0x0;
	lr =	simm.s32 $0x1  }
0x2: {  	[smem:$0x3F9A] =	sst lr;
	_ =	strace $0xD0000000  }
0x3: {  	_ = 	snop  }
0x4: {  	_ = 	snop  }
0x5: {  	_ = 	snop  }
0x6: {  	_ = 	snop  }
0x7: {  	_ = 	snop  }
__scs_overlays_trampoline_lowered:
0x8: {  	[smem:$0x3FA9] =	sst s0  }
0x9: {  	[smem:$0x3FAA] =	sst s1  }
0xa: {  	[smem:$0x3FAB] =	sst s2  }
0xb: {  	[smem:$0x3FAC] =	sst s3  }
0xc: {  	[smem:$0x3FAD] =	sst s4  }
0xd: {  	[smem:$0x3FAE] =	sst s5  }
0xe: {  	[smem:$0x3FAF] =	sst s6  }
0xf: {  	[smem:$0x3FB0] =	sst s7  }
0x10: {  	[smem:$0x3FB1] =	sst s8  }
0x11: {  	[smem:$0x3FB2] =	sst s9;
	s0 =	simm.s32 @!p0 $0x0  }
0x12: {  	s1 =	sld [smem:$0x3F98];
	s0 =	simm.s32 @p0 $0x1  }
0x13: {  	[smem:$0x3FB3] =	sst s0;
	s0 =	simm.s32 @!p1 $0x0  }
0x14: {  	s2 =	sld [smem:$0x3F97];
	s0 =	simm.s32 @p1 $0x1  }
0x15: {  	[smem:$0x3FB4] =	sst s0;
	s0 =	simm.s32 @!p2 $0x0  }
0x16: {  	s3 =	sld [smem:$0x3FDB];
	s0 =	simm.s32 @p2 $0x1  }
0x17: {  	s4 =	simm.s32 $0x1BF5;
	[smem:$0x3FB6] =	sst s0  }
0x18: {  	s0 =	sld [smem:$0x3F99];
	_ =	swait.ge [sflag:s4], $0x0  }
0x19: {  	s7 =	sld [smem:$0x3F9A]  }
0x1a: {  	s8 =	sadd.s32 $0xFFFFE003, lr  }
0x1b: {  	s9 =	sadd.s32 $0xFFFFFEF7, lr;
	s5 =	simm.s32 $0xFFFFFFFF;
	p2 =	slt.u32 s8, $0xFFFFF086  }
0x1c: {  	p1 =	slt.u32 s9, $0xF7A;
	s5 =	simm.s32 @!p2 $0x0  }
0x1d: {  	s5 =	simm.s32 @p1 $0x1;
	p0 =	seq.s32 s7, s2  }
0x1e: {  	s7 =	smul.u32 @!p0 $0xF7A, s2;
	p2 =	seq.s32 @!p0 s5, $0x0  }
0x1f: {  	s9 =	smul.u32 $0xF7A, s1;
	s8 =	simm.s32 @!p0 $0x1BF5;
	p2 =	por !p2, p0  }
0x20: {  	[sflag:s8] =	ssyncset.s32 @!p0 $0xFFFFF086;
	s6 =	sadd.s32 @!p0 s3, s7;
	s7 =	simm.s32 @!p0 $0x108  }
0x21: {  	s3 =	sadd.s32 s3, s9;
	s6 =	sadd.s32 @!p0 $0x88, s6;
	s7 =	simm.s32 @p2 $0x1082  }
0x22: {  	[simem:s7], [sflag:s8] =	dma.local @!p0 [hbm:s6], $0xF7A  }
0x23: {  	s9 =	sor.u32 $0xD0000000, s2;
	s6 =	simm.s32 $0x108;
	_ =	swait.ge @!p0 [sflag:s8], $0x0  }
0x24: {  	s3 =	sadd.s32 $0x88, s3;
	s6 =	simm.s32 @!p1 $0x1082;
	[sflag:s4] =	ssyncset.s32 $0xFFFFF086  }
0x25: {  	[simem:s6], [sflag:s4] =	dma.local [hbm:s3], $0xF7A  }
0x26: {  	[smem:$0x3F9A] =	sst s1;
	(tag) =	ssettag s2;
	_ =	strace s9  }
0x27: {  	s1 =	sld [smem:$0x3FAA]  }
0x28: {  	s2 =	sld [smem:$0x3FAB]  }
0x29: {  	s4 =	sld [smem:$0x3FAD]  }
0x2a: {  	p0 =	seq.s32 s5, $0x0;
	s5 =	sld [smem:$0x3FAE]  }
0x2b: {  	s6 =	sld [smem:$0x3FAF]  }
0x2c: {  	s7 =	sld [smem:$0x3FB0]  }
0x2d: {  	s3 =	simm.s32 $0x108;
	s8 =	sld [smem:$0x3FB1]  }
0x2e: {  	s3 =	simm.s32 @!p0 $0x1082;
	s9 =	sld [smem:$0x3FB2]  }
0x2f: {  	lr =	sadd.s32 s0, s3;
	s0 =	sld [smem:$0x3FA9]  }
0x30: {  	s3 =	sld [smem:$0x3FAC]  }
0x31: {  	[smem:$0x3FB5] =	sst s10  }
0x32: {  	s10 =	sld [smem:$0x3FB3];
	_ =	sdelay $0x3  }
0x33: {  	p0 =	seq.s32 s10, $0x1;
	s10 =	sld [smem:$0x3FB5];
	_ =	sdelay $0x3  }
0x34: {  	[smem:$0x3FB5] =	sst s10  }
0x35: {  	s10 =	sld [smem:$0x3FB4];
	_ =	sdelay $0x3  }
0x36: {  	p1 =	seq.s32 s10, $0x1;
	s10 =	sld [smem:$0x3FB5];
	_ =	sdelay $0x3  }
0x37: {  	[smem:$0x3FB5] =	sst s10  }
0x38: {  	s10 =	sld [smem:$0x3FB6]  }
0x39: {  	_ = 	snop;
	(pc) =	sbr.ind lr, $3  }
0x3a: {  	_ = 	snop  }
0x3b: {  	_ = 	snop  }
0x3c: {  	p2 =	seq.s32 s10, $0x1;
	s10 =	sld [smem:$0x3FB5]  }
0x3d: {  	_ =	shalt  }
0x3e: {  	_ =	shalt  }
0x3f: {  	_ =	shalt  }
0x40: {  	_ =	shalt  }
0x41: {  	_ =	shalt  }
0x42: {  	_ =	shalt  }
0x43: {  	_ =	shalt  }
0x44: {  	_ =	shalt  }
0x45: {  	_ =	shalt  }
0x46: {  	_ =	shalt  }
0x47: {  	_ =	shalt  }
0x48: {  	_ =	shalt  }
0x49: {  	_ =	shalt  }
0x4a: {  	_ =	shalt  }
0x4b: {  	_ =	shalt  }
0x4c: {  	_ =	shalt  }
0x4d: {  	_ =	shalt  }
0x4e: {  	_ =	shalt  }
0x4f: {  	_ =	shalt  }
0x50: {  	_ =	shalt  }
0x51: {  	_ =	shalt  }
0x52: {  	_ =	shalt  }
0x53: {  	_ =	shalt  }
0x54: {  	_ =	shalt  }
0x55: {  	_ =	shalt  }
0x56: {  	_ =	shalt  }
0x57: {  	_ =	shalt  }
0x58: {  	_ =	shalt  }
0x59: {  	_ =	shalt  }
0x5a: {  	_ =	shalt  }
0x5b: {  	_ =	shalt  }
0x5c: {  	_ =	shalt  }
0x5d: {  	_ =	shalt  }
0x5e: {  	_ =	shalt  }
0x5f: {  	_ =	shalt  }
0x60: {  	_ =	shalt  }
0x61: {  	_ =	shalt  }
0x62: {  	_ =	shalt  }
0x63: {  	_ =	shalt  }
0x64: {  	_ =	shalt  }
0x65: {  	_ =	shalt  }
0x66: {  	_ =	shalt  }
0x67: {  	_ =	shalt  }
0x68: {  	_ =	shalt  }
0x69: {  	_ =	shalt  }
0x6a: {  	_ =	shalt  }
0x6b: {  	_ =	shalt  }
0x6c: {  	_ =	shalt  }
0x6d: {  	_ =	shalt  }
0x6e: {  	_ =	shalt  }
0x6f: {  	_ =	shalt  }
0x70: {  	_ =	shalt  }
0x71: {  	_ =	shalt  }
0x72: {  	_ =	shalt  }
0x73: {  	_ =	shalt  }
0x74: {  	_ =	shalt  }
0x75: {  	_ =	shalt  }
0x76: {  	_ =	shalt  }
0x77: {  	_ =	shalt  }
0x78: {  	_ =	shalt  }
0x79: {  	_ =	shalt  }
0x7a: {  	_ =	shalt  }
0x7b: {  	_ =	shalt  }
0x7c: {  	_ =	shalt  }
0x7d: {  	_ =	shalt  }
0x7e: {  	_ =	shalt  }
0x7f: {  	_ =	shalt  }
0x80: {  	_ =	shalt  }
0x81: {  	_ =	shalt  }
0x82: {  	_ =	shalt  }
0x83: {  	_ =	shalt  }
0x84: {  	_ =	shalt  }
0x85: {  	_ =	shalt  }
0x86: {  	_ =	shalt  }
0x87: {  	_ =	shalt  }
.Lfunc_end0:
.L_simem_size_0:
called_computation_lowered:
.L_overlay_start_0:
0x88: {  	s0 =	sld [smem:$0x3FD9]  }
0x89: {  	s1 =	sld [smem:$0x3FFE];
	_ =	sdelay $0x3  }
0x8a: {  	s0 =	sadd.s32 s1, s0  }
0x8b: {  	[smem:$0x3FC1] =	sst s0  }
0x8c: {  	_ = 	snop  }
0x8d: {  	s0 =	sld [smem:$0x3FC9]  }
0x8e: {  	s17 =	sld [smem:$0x3FC8]  }
0x8f: {  	s2 =	sld [smem:$0x3FC7]  }
0x90: {  	s3 =	sld [smem:$0x3FC6]  }
0x91: {  	s4 =	sld [smem:$0x3FC5]  }
0x92: {  	s5 =	sld [smem:$0x3FC4]  }
0x93: {  	s6 =	sld [smem:$0x3FC3]  }
0x94: {  	s7 =	sld [smem:$0x3FD0];
	(tm) =	ssettm $0x1  }
0x95: {  	s8 =	sld [smem:$0x3FFB];
	_ =	sdelay $0x3  }
0x96: {  	_ =	strace s8  }
0x97: {  	s8 =	sld [smem:$0x3FFC];
	_ =	sdelay $0x3  }
0x98: {  	_ =	strace s8  }
0x99: {  	s8 =	sld [smem:$0x3FFD];
	_ =	sdelay $0x3  }
0x9a: {  	_ =	strace s8  }
0x9b: {  	_ =	strace $0x8FFFFFFF  }
0x9c: {  	s18 =	sld [smem:$0x3FDB];
	_ =	sdelay $0x1  }
0x9d: {  	s9 =	simm.s32 $_scs_section_size  }
0x9e: {  	s10 =	simm.s32 $_size__tile_overlayer_lowered;
	s11 =	simm.s32 $_tile_overlayer_lowered  }
0x9f: {  	s21 =	simm.s32 $0x1BFF;
	s20 =	sshll.u32 s11, $0x1;
	s8 =	sadd.s32 s9, s18  }
0xa0: {  	s12 =	simm.s32 $0x0;
	s19 =	sshll.u32 s10, $0x1;
	s10 =	sadd.s32 s20, s8  }
0xa1: {  	[timem:s12], [sflag:s21] =	dma.local [hbm:s10], s19  }
0xa2: {  	_ =	swait.ge [sflag:s21], s19  }
0xa3: {  	s9 =	ssub.s32 $0x0, s19;
	[sflag:s21] =	ssyncset.done $0x0  }
0xa4: {  	[sflag:s21] =	ssyncadd.s32 s9;
	_ =	sdelay $0x1  }
0xa5: {  	s22 =	simm.s32 $0x1B8B  }
0xa6: {  	_ =	swait.ge [sflag:s22], $0x1  }
0xa7: {  	[sflag:s22] =	ssyncset.done $0x0  }
0xa8: {  	s23 =	simm.s32 $0x1B8E;
	[sflag:s22] =	ssyncadd.s32 $0xFFFFFFFF  }
0xa9: {  	s24 =	simm.s32 $execute0_lowered;
	[smem:$0x3FD2] =	sst s23  }
0xaa: {  	s9 =	sshll.u32 s24, $0x1;
	_ =	strace $0x80000046;
	[dreg:$0x1] =	wrdreg $0xFFFFFFFF  }
0xab: {  	s25 =	simm.s32 $_size_execute0_lowered;
	s8 =	sadd.s32 s8, s9;
	[dreg:$0x0] =	wrdreg $0x0  }
0xac: {  	s9 =	sshll.u32 s25, $0x1;
	[dreg:$0x2] =	wrdreg s8  }
0xad: {  	[dreg:$0x3] =	wrdreg s9  }
0xae: {  	[dreg:$0x4] =	wrdreg $0xC0  }
0xaf: {  	_ =	task [dreg:s12], $0x5FFFF  }
0xb0: {  	[dreg:$0x1] =	wrdreg $0xFFFFFFFF  }
0xb1: {  	[dreg:$0x0] =	wrdreg $0x60  }
0xb2: {  	[dreg:$0x2] =	wrdreg s0  }
0xb3: {  	[dreg:$0x3] =	wrdreg s17  }
0xb4: {  	[dreg:$0x4] =	wrdreg s2  }
0xb5: {  	[dreg:$0x5] =	wrdreg s3  }
0xb6: {  	[dreg:$0x6] =	wrdreg s4  }
0xb7: {  	[dreg:$0x7] =	wrdreg s5  }
0xb8: {  	[dreg:$0x8] =	wrdreg s6  }
0xb9: {  	[dreg:$0x9] =	wrdreg s7  }
0xba: {  	[dreg:$0xa] =	wrdreg $0x9  }
0xbb: {  	_ =	task.clear_ibuf [dreg:s12], $0xBFFFF;
	_ =	strace $0x90000046  }
0xbc: {  	s26 =	simm.s32 $0x9;
	_ =	strace $0x80000048  }
0xbd: {  	_ =	swait.ge [sflag:s26], $0x1  }
0xbe: {  	[sflag:s26] =	ssyncadd.s32 $0xFFFFFFFF  }
0xbf: {  	_ =	strace $0x90000048  }
0xc0: {  	_ =	sfence  }
0xc1: {  	s28 =	sld [smem:$0x0];
	_ =	sdelay $0x1  }
0xc2: {  	s29 =	srdreg.scid  }
0xc3: {  	s30 =	sshll.u32 s29, $0xD;
	s31 =	sshrl.u32 s29, $0x2  }
0xc4: {  	s1 =	sand.u32 $0x1, s29;
	s2 =	sand.u32 $0x4000, s30;
	s0 =	sadd.s32 s31, s28  }
0xc5: {  	s1 =	sor.u32 s2, s1;
	s0 =	sshll.u32 s0, $0x11  }
0xc6: {  	s0 =	sor.u32 s0, s1  }
0xc7: {  	s0 =	sadd.s32 $0x8F2B, s0  }
0xc8: {  	[sflag:s0] =	ssyncadd.remote.s32 $0x1  }
0xc9: {  	_ =	sfence.sel $0xFFFF  }
0xca: {  	[dreg:$0x0] =	wrdreg $0xFFFFFFFF;
	(pc) =	sbr.abs _section_cstart, $3  }
0xcb: {  	[dreg:$0x1] =	wrdreg $0xFFFFFFFF  }
0xcc: {  	_ =	task.clear_ibuf [dreg:s12], $0x2FFFF;
	_ =	strace $0x9FFFFFFF  }
0xcd: {  	(tm) =	ssettm $0x7FFFFFFF  }
tec
execute0_lowered:
.L_overlay_start_1:
0x0: {  	(tag) =	ssettag $0x1  }
0x1: {  	s4 =	rddreg [dreg:$0x0]  }
0x2: {  	s5 =	rddreg [dreg:$0x1]  }
0x3: {  	s6 =	rddreg [dreg:$0x2]  }
0x4: {  	s7 =	rddreg [dreg:$0x3]  }
0x5: {  	s8 =	rddreg [dreg:$0x4]  }
0x6: {  	s9 =	rddreg [dreg:$0x5]  }
0x7: {  	s10 =	rddreg [dreg:$0x6]  }
0x8: {  	s2 =	rddreg [dreg:$0x7];
	s3 =	simm.s32 $0x0;
	s1 =	stileid.u32  }
0x9: {  	[smem:$0x7FF] =	sst s3;
	s11 =	sshll.u32 s1, $0x7  }
0xa: {  	s0 =	rddreg [dreg:$0x8];
	_ =	strace $0x80000047;
	s4 =	sadd.s32 s4, s11  }
0xb: {  	[tilespmem:s3], [sflag:$0x1] =	stream.linear.gather [hbm4b:s4+s3], $0x400, $0x38;
	[tilespmem:$0x3C00] =	vst v63  }
0xc: {  	s4 =	simm.s32 $0x400  }
0xd: {  	[tilespmem:s4], [sflag:$0x1] =	stream.linear.gather [hbm4b:s5+s3], $0x400, $0x38;
	[tilespmem:$0x3C00] =	vst v63  }
0xe: {  	s5 =	simm.s32 $0x800  }
0xf: {  	[tilespmem:s5], [sflag:$0x1] =	stream.linear.gather [hbm4b:s6+s3], $0x400, $0x38;
	[tilespmem:$0x3C00] =	vst v63  }
0x10: {  	s6 =	simm.s32 $0xC00  }
0x11: {  	[tilespmem:s6], [sflag:$0x1] =	stream.linear.gather [hbm4b:s7+s3], $0x400, $0x38;
	[tilespmem:$0x3C00] =	vst v63  }
0x12: {  	s7 =	simm.s32 $0x1000  }
0x13: {  	[tilespmem:s7], [sflag:$0x1] =	stream.linear.gather [hbm4b:s8+s3], $0x400, $0x38;
	[tilespmem:$0x3C00] =	vst v63  }
0x14: {  	s8 =	simm.s32 $0x1400  }
0x15: {  	[tilespmem:s8], [sflag:$0x1] =	stream.linear.gather [hbm4b:s9+s3], $0x400, $0x38;
	[tilespmem:$0x3C00] =	vst v63  }
0x16: {  	s31 =	simm.s32 $0x1;
	s9 =	simm.s32 $0x1800  }
0x17: {  	[tilespmem:s9], [sflag:$0x1] =	stream.linear.gather [hbm4b:s10+s3], $0x400, $0x38;
	[tilespmem:$0x3C00] =	vst v63  }
0x18: {  	_ =	swait.ge [sflag:s31], $0x400  }
0x19: {  	[sflag:s31] =	ssyncset.done $0x0  }
0x1a: {  	[sflag:s31] =	ssyncadd.s32 $0xFFFFFC00  }
0x1b: {  	_ =	swait.ge [sflag:s31], $0x400  }
0x1c: {  	[sflag:s31] =	ssyncset.done $0x0  }
0x1d: {  	[sflag:s31] =	ssyncadd.s32 $0xFFFFFC00  }
0x1e: {  	_ =	swait.ge [sflag:s31], $0x400  }
0x1f: {  	[sflag:s31] =	ssyncset.done $0x0  }
0x20: {  	[sflag:s31] =	ssyncadd.s32 $0xFFFFFC00  }
0x21: {  	_ =	swait.ge [sflag:s31], $0x400  }
0x22: {  	[sflag:s31] =	ssyncset.done $0x0  }
0x23: {  	[sflag:s31] =	ssyncadd.s32 $0xFFFFFC00  }
0x24: {  	_ =	swait.ge [sflag:s31], $0x400  }
0x25: {  	[sflag:s31] =	ssyncset.done $0x0  }
0x26: {  	[sflag:s31] =	ssyncadd.s32 $0xFFFFFC00  }
0x27: {  	_ =	swait.ge [sflag:s31], $0x400  }
0x28: {  	[sflag:s31] =	ssyncset.done $0x0  }
0x29: {  	[sflag:s31] =	ssyncadd.s32 $0xFFFFFC00  }
0x2a: {  	_ =	swait.ge [sflag:s31], $0x400  }
0x2b: {  	p0 =	por $0x0, $0x0;
	s12 =	simm.s32 $0x0;
	[sflag:s31] =	ssyncset.done $0x0  }
0x2c: {  	s11 =	simm.s32 $0x0;
	s10 =	simm.s32 $0xFFFFFFFC;
	[sflag:s31] =	ssyncadd.s32 $0xFFFFFC00  }
.LBB2_1:
0x2d: {  	v0 =	vld [tilespmem:s3+$0x0];
	_ =	sdelay $0x7  }
0x2e: {  	v1 =	vld.idx.msk [tilespmem:v0+s4+$0x0], $0xffff;
	_ =	sdelay $0x1  }
0x2f: {  	s13 =	sand.u32 $0xC00, s12  }
0x30: {  	s14 =	sand.u32 $0x40, s11;
	s13 =	sadd.s32 $0x1C00, s13  }
0x31: {  	s15 =	sor.u32 s14, s13  }
0x32: {  	[tilespmem:s15+$0x0] =	vst v1  }
0x33: {  	v1 =	vld.idx.msk [tilespmem:v0+s5+$0x0], $0xffff;
	_ =	sdelay $0x4  }
0x34: {  	[tilespmem:s15+$0x80] =	vst v1  }
0x35: {  	v1 =	vld.idx.msk [tilespmem:v0+s6+$0x0], $0xffff;
	_ =	sdelay $0x4  }
0x36: {  	[tilespmem:s15+$0x100] =	vst v1  }
0x37: {  	v1 =	vld.idx.msk [tilespmem:v0+s7+$0x0], $0xffff;
	_ =	sdelay $0x4  }
0x38: {  	[tilespmem:s15+$0x180] =	vst v1  }
0x39: {  	s15 =	simm.s32 $0x1;
	v1 =	vld.idx.msk [tilespmem:v0+s8+$0x0], $0xffff  }
0x3a: {  	s15 =	simm.s32 @!p0 $0x0  }
0x3b: {  	s15 =	sshll.u32 s15, $0x6  }
0x3c: {  	s15 =	sadd.s32 s15, s12  }
0x3d: {  	s16 =	sor.u32 $0x200, s15  }
0x3e: {  	[tilespmem:s16+$0x1C00] =	vst v1  }
0x3f: {  	v0 =	vld.idx.msk [tilespmem:v0+s9+$0x0], $0xffff;
	_ =	sdelay $0x3  }
0x40: {  	s18 =	sand.u32 $0x180, s11;
	s17 =	sor.u32 $0x10, s14;
	s31 =	sor.u32 $0x280, s15  }
0x41: {  	s19 =	sor.u32 s17, s18;
	[tilespmem:s31+$0x1C00] =	vst v0  }
0x42: {  	v0 =	vld [tilespmem:s19+$0x0];
	_ =	sdelay $0x7  }
0x43: {  	v1 =	vld.idx.msk [tilespmem:v0+s4+$0x0], $0xffff;
	_ =	sdelay $0x3  }
0x44: {  	s20 =	sor.u32 s17, s13  }
0x45: {  	[tilespmem:s20+$0x0] =	vst v1  }
0x46: {  	v1 =	vld.idx.msk [tilespmem:v0+s5+$0x0], $0xffff;
	_ =	sdelay $0x4  }
0x47: {  	[tilespmem:s20+$0x80] =	vst v1  }
0x48: {  	v1 =	vld.idx.msk [tilespmem:v0+s6+$0x0], $0xffff;
	_ =	sdelay $0x4  }
0x49: {  	[tilespmem:s20+$0x100] =	vst v1  }
0x4a: {  	v1 =	vld.idx.msk [tilespmem:v0+s7+$0x0], $0xffff;
	_ =	sdelay $0x4  }
0x4b: {  	[tilespmem:s20+$0x180] =	vst v1  }
0x4c: {  	v1 =	vld.idx.msk [tilespmem:v0+s8+$0x0], $0xffff;
	_ =	sdelay $0x2  }
0x4d: {  	s21 =	sadd.s32 $0x10, s15  }
0x4e: {  	s22 =	sor.u32 $0x200, s21  }
0x4f: {  	[tilespmem:s22+$0x1C00] =	vst v1  }
0x50: {  	v0 =	vld.idx.msk [tilespmem:v0+s9+$0x0], $0xffff;
	_ =	sdelay $0x3  }
0x51: {  	s23 =	sor.u32 $0x20, s14;
	s16 =	sor.u32 $0x280, s21  }
0x52: {  	s24 =	sor.u32 s23, s18;
	[tilespmem:s16+$0x1C00] =	vst v0  }
0x53: {  	v0 =	vld [tilespmem:s24+$0x0];
	_ =	sdelay $0x7  }
0x54: {  	v1 =	vld.idx.msk [tilespmem:v0+s4+$0x0], $0xffff;
	_ =	sdelay $0x3  }
0x55: {  	s25 =	sor.u32 s23, s13  }
0x56: {  	[tilespmem:s25+$0x0] =	vst v1  }
0x57: {  	v1 =	vld.idx.msk [tilespmem:v0+s5+$0x0], $0xffff;
	_ =	sdelay $0x4  }
0x58: {  	[tilespmem:s25+$0x80] =	vst v1  }
0x59: {  	v1 =	vld.idx.msk [tilespmem:v0+s6+$0x0], $0xffff;
	_ =	sdelay $0x4  }
0x5a: {  	[tilespmem:s25+$0x100] =	vst v1  }
0x5b: {  	v1 =	vld.idx.msk [tilespmem:v0+s7+$0x0], $0xffff;
	_ =	sdelay $0x4  }
0x5c: {  	[tilespmem:s25+$0x180] =	vst v1  }
0x5d: {  	v1 =	vld.idx.msk [tilespmem:v0+s8+$0x0], $0xffff;
	_ =	sdelay $0x2  }
0x5e: {  	s26 =	sadd.s32 $0x20, s15  }
0x5f: {  	s28 =	sor.u32 $0x200, s26  }
0x60: {  	[tilespmem:s28+$0x1C00] =	vst v1  }
0x61: {  	v0 =	vld.idx.msk [tilespmem:v0+s9+$0x0], $0xffff;
	_ =	sdelay $0x3  }
0x62: {  	s14 =	sor.u32 $0x30, s14;
	s16 =	sor.u32 $0x280, s26  }
0x63: {  	s29 =	sor.u32 s14, s18;
	[tilespmem:s16+$0x1C00] =	vst v0  }
0x64: {  	v0 =	vld [tilespmem:s29+$0x0];
	_ =	sdelay $0x7  }
0x65: {  	v1 =	vld.idx.msk [tilespmem:v0+s4+$0x0], $0xffff;
	_ =	sdelay $0x3  }
0x66: {  	s13 =	sor.u32 s14, s13  }
0x67: {  	[tilespmem:s13+$0x0] =	vst v1  }
0x68: {  	v1 =	vld.idx.msk [tilespmem:v0+s5+$0x0], $0xffff;
	_ =	sdelay $0x4  }
0x69: {  	[tilespmem:s13+$0x80] =	vst v1  }
0x6a: {  	v1 =	vld.idx.msk [tilespmem:v0+s6+$0x0], $0xffff;
	_ =	sdelay $0x4  }
0x6b: {  	[tilespmem:s13+$0x100] =	vst v1  }
0x6c: {  	v1 =	vld.idx.msk [tilespmem:v0+s7+$0x0], $0xffff;
	_ =	sdelay $0x4  }
0x6d: {  	[tilespmem:s13+$0x180] =	vst v1  }
0x6e: {  	v1 =	vld.idx.msk [tilespmem:v0+s8+$0x0], $0xffff;
	_ =	sdelay $0x2  }
0x6f: {  	s30 =	sadd.s32 $0x30, s15  }
0x70: {  	s31 =	sor.u32 $0x200, s30  }
0x71: {  	s10 =	sadd.s32 $0x4, s10;
	[tilespmem:s31+$0x1C00] =	vst v1  }
0x72: {  	p1 =	slt.u32 s10, $0x1C;
	v0 =	vld.idx.msk [tilespmem:v0+s9+$0x0], $0xffff  }
.Ltmp0:
0x73: {  	_ = 	snop;
	(pc) =	sbr.rel @p1 .LBB2_1-.Ltmp0, $3  }
0x74: {  	_ =	sdelay $0x1  }
0x75: {  	s11 =	sadd.s32 $0x40, s11;
	s13 =	sor.u32 $0x280, s30  }
0x76: {  	s3 =	sadd.s32 $0x40, s3;
	p0 =	por !p0, !p0;
	s12 =	sadd.s32 $0x200, s12;
	[tilespmem:s13+$0x1C00] =	vst v0  }
0x77: {  	s3 =	sshll.u32 s1, $0xA;
	s4 =	simm.s32 $0x0  }
0x78: {  	s6 =	simm.s32 $0x1C00;
	p0 =	por $0x0, $0x0;
	s8 =	simm.s32 $0x1  }
0x79: {  	s7 =	simm.s32 $0x200;
	s9 =	simm.s32 $0x800;
	s10 =	simm.s32 $0xC00  }
0x7a: {  	s11 =	simm.s32 $0x1400;
	s12 =	simm.s32 $0x1800;
	s13 =	simm.s32 $0x200  }
0x7b: {  	s14 =	simm.s32 $0x1000;
	s5 =	sadd.s32 s2, s3;
	[dreg:$0x9] =	wrdreg s8  }
0x7c: {  	[hbm4b:s5+s4] =	stream.linear.scatter [tilespmem:s6], [sflag:$0x1], $0x1000, $0x38;
	[tilespmem:$0x3C00] =	vst v63  }
0x7d: {  	s8 =	simm.s32 $0x400;
	s5 =	simm.s32 $0x1C;
	s6 =	simm.s32 $0x1000  }
.LBB2_3:
0x7e: {  	v0 =	vld [tilespmem:s7+$0x0];
	_ =	sdelay $0x7  }
0x7f: {  	v1 =	vld.idx.msk [tilespmem:v0+s8+$0x0], $0xffff;
	_ =	sdelay $0x1  }
0x80: {  	s15 =	sand.u32 $0x1C00, s14  }
0x81: {  	s16 =	sand.u32 $0x40, s13;
	s15 =	sadd.s32 $0x1C00, s15  }
0x82: {  	s17 =	sor.u32 s16, s15  }
0x83: {  	[tilespmem:s17+$0x0] =	vst v1  }
0x84: {  	v1 =	vld.idx.msk [tilespmem:v0+s9+$0x0], $0xffff;
	_ =	sdelay $0x4  }
0x85: {  	[tilespmem:s17+$0x80] =	vst v1  }
0x86: {  	v1 =	vld.idx.msk [tilespmem:v0+s10+$0x0], $0xffff;
	_ =	sdelay $0x4  }
0x87: {  	[tilespmem:s17+$0x100] =	vst v1  }
0x88: {  	v1 =	vld.idx.msk [tilespmem:v0+s6+$0x0], $0xffff;
	_ =	sdelay $0x4  }
0x89: {  	s18 =	rddreg [dreg:$0x9];
	[tilespmem:s17+$0x180] =	vst v1  }
0x8a: {  	s18 =	simm.s32 @!p0 $0x0;
	v1 =	vld.idx.msk [tilespmem:v0+s11+$0x0], $0xffff  }
0x8b: {  	s28 =	sshll.u32 s18, $0x6  }
0x8c: {  	s17 =	sadd.s32 s28, s4  }
0x8d: {  	s29 =	sadd.s32 $0x1000, s17  }
0x8e: {  	s19 =	sor.u32 $0x200, s29  }
0x8f: {  	[tilespmem:s19+$0x1C00] =	vst v1  }
0x90: {  	v0 =	vld.idx.msk [tilespmem:v0+s12+$0x0], $0xffff;
	_ =	sdelay $0x3  }
0x91: {  	s20 =	sand.u32 $0x380, s13;
	s30 =	sor.u32 $0x10, s16;
	s18 =	sor.u32 $0x280, s29  }
0x92: {  	s31 =	sor.u32 s30, s20;
	[tilespmem:s18+$0x1C00] =	vst v0  }
0x93: {  	v0 =	vld [tilespmem:s31+$0x0];
	_ =	sdelay $0x7  }
0x94: {  	v1 =	vld.idx.msk [tilespmem:v0+s8+$0x0], $0xffff;
	_ =	sdelay $0x3  }
0x95: {  	s19 =	sor.u32 s30, s15  }
0x96: {  	[tilespmem:s19+$0x0] =	vst v1  }
0x97: {  	v1 =	vld.idx.msk [tilespmem:v0+s9+$0x0], $0xffff;
	_ =	sdelay $0x4  }
0x98: {  	[tilespmem:s19+$0x80] =	vst v1  }
0x99: {  	v1 =	vld.idx.msk [tilespmem:v0+s10+$0x0], $0xffff;
	_ =	sdelay $0x4  }
0x9a: {  	[tilespmem:s19+$0x100] =	vst v1  }
0x9b: {  	v1 =	vld.idx.msk [tilespmem:v0+s6+$0x0], $0xffff;
	_ =	sdelay $0x4  }
0x9c: {  	[tilespmem:s19+$0x180] =	vst v1  }
0x9d: {  	v1 =	vld.idx.msk [tilespmem:v0+s11+$0x0], $0xffff;
	_ =	sdelay $0x2  }
0x9e: {  	s21 =	sadd.s32 $0x1010, s17  }
0x9f: {  	s22 =	sor.u32 $0x200, s21  }
0xa0: {  	[tilespmem:s22+$0x1C00] =	vst v1  }
0xa1: {  	v0 =	vld.idx.msk [tilespmem:v0+s12+$0x0], $0xffff;
	_ =	sdelay $0x3  }
0xa2: {  	s23 =	sor.u32 $0x20, s16;
	s18 =	sor.u32 $0x280, s21  }
0xa3: {  	s24 =	sor.u32 s23, s20;
	[tilespmem:s18+$0x1C00] =	vst v0  }
0xa4: {  	v0 =	vld [tilespmem:s24+$0x0];
	_ =	sdelay $0x7  }
0xa5: {  	v1 =	vld.idx.msk [tilespmem:v0+s8+$0x0], $0xffff;
	_ =	sdelay $0x3  }
0xa6: {  	s25 =	sor.u32 s23, s15  }
0xa7: {  	[tilespmem:s25+$0x0] =	vst v1  }
0xa8: {  	v1 =	vld.idx.msk [tilespmem:v0+s9+$0x0], $0xffff;
	_ =	sdelay $0x4  }
0xa9: {  	[tilespmem:s25+$0x80] =	vst v1  }
0xaa: {  	v1 =	vld.idx.msk [tilespmem:v0+s10+$0x0], $0xffff;
	_ =	sdelay $0x4  }
0xab: {  	[tilespmem:s25+$0x100] =	vst v1  }
0xac: {  	v1 =	vld.idx.msk [tilespmem:v0+s6+$0x0], $0xffff;
	_ =	sdelay $0x4  }
0xad: {  	[tilespmem:s25+$0x180] =	vst v1  }
0xae: {  	v1 =	vld.idx.msk [tilespmem:v0+s11+$0x0], $0xffff;
	_ =	sdelay $0x2  }
0xaf: {  	s26 =	sadd.s32 $0x1020, s17  }
0xb0: {  	s28 =	sor.u32 $0x200, s26  }
0xb1: {  	[tilespmem:s28+$0x1C00] =	vst v1  }
0xb2: {  	v0 =	vld.idx.msk [tilespmem:v0+s12+$0x0], $0xffff;
	_ =	sdelay $0x3  }
0xb3: {  	s16 =	sor.u32 $0x30, s16;
	s18 =	sor.u32 $0x280, s26  }
0xb4: {  	s29 =	sor.u32 s16, s20;
	[tilespmem:s18+$0x1C00] =	vst v0  }
0xb5: {  	v0 =	vld [tilespmem:s29+$0x0];
	_ =	sdelay $0x7  }
0xb6: {  	v1 =	vld.idx.msk [tilespmem:v0+s8+$0x0], $0xffff;
	_ =	sdelay $0x3  }
0xb7: {  	s15 =	sor.u32 s16, s15  }
0xb8: {  	[tilespmem:s15+$0x0] =	vst v1  }
0xb9: {  	v1 =	vld.idx.msk [tilespmem:v0+s9+$0x0], $0xffff;
	_ =	sdelay $0x4  }
0xba: {  	[tilespmem:s15+$0x80] =	vst v1  }
0xbb: {  	v1 =	vld.idx.msk [tilespmem:v0+s10+$0x0], $0xffff;
	_ =	sdelay $0x4  }
0xbc: {  	[tilespmem:s15+$0x100] =	vst v1  }
0xbd: {  	v1 =	vld.idx.msk [tilespmem:v0+s6+$0x0], $0xffff;
	_ =	sdelay $0x4  }
0xbe: {  	[tilespmem:s15+$0x180] =	vst v1  }
0xbf: {  	v1 =	vld.idx.msk [tilespmem:v0+s11+$0x0], $0xffff;
	_ =	sdelay $0x2  }
0xc0: {  	s30 =	sadd.s32 $0x1030, s17  }
0xc1: {  	s31 =	sor.u32 $0x200, s30  }
0xc2: {  	s5 =	sadd.s32 $0x4, s5;
	[tilespmem:s31+$0x1C00] =	vst v1  }
0xc3: {  	p1 =	slt.u32 s5, $0x3C;
	v0 =	vld.idx.msk [tilespmem:v0+s12+$0x0], $0xffff  }
.Ltmp1:
0xc4: {  	_ = 	snop;
	(pc) =	sbr.rel @p1 .LBB2_3-.Ltmp1, $3  }
0xc5: {  	_ =	sdelay $0x1  }
0xc6: {  	s14 =	sadd.s32 $0x200, s14;
	s13 =	sadd.s32 $0x40, s13;
	s15 =	sor.u32 $0x280, s30  }
0xc7: {  	s7 =	sadd.s32 $0x40, s7;
	p0 =	por !p0, !p0;
	s4 =	sadd.s32 $0x200, s4;
	[tilespmem:s15+$0x1C00] =	vst v0  }
0xc8: {  	s2 =	sadd.s32 s3, s2;
	s30 =	simm.s32 $0x0  }
0xc9: {  	s4 =	simm.s32 $0x2C00;
	s31 =	simm.s32 $0x1;
	s2 =	sadd.s32 $0x200, s2  }
0xca: {  	[hbm4b:s2+s30] =	stream.linear.scatter [tilespmem:s4], [sflag:$0x1], $0x1000, $0x38;
	[tilespmem:$0x3C00] =	vst v63  }
0xcb: {  	_ =	swait.ge [sflag:s31], $0x1000  }
0xcc: {  	[sflag:s31] =	ssyncset.done $0x0  }
0xcd: {  	[sflag:s31] =	ssyncadd.s32 $0xFFFFF000  }
0xce: {  	_ =	swait.ge [sflag:s31], $0x1000  }
0xcf: {  	[sflag:s31] =	ssyncset.done $0x0  }
0xd0: {  	[sflag:s31] =	ssyncadd.s32 $0xFFFFF000  }
0xd1: {  	_ =	sfence.sel $0x180000  }
0xd2: {  	[bflag:$0x0] =	sbarrier.arrive $0xFFFF  }
0xd3: {  	p0 =	sne.s32 s1, $0x0;
	_ =	strace $0x90000047  }
0xd4: {  	s0 =	sadd.s32 @!p0 $0x100000, s0;
	[bflag:$0x2] =	sbarrier.arrive $0xFFFF  }
0xd5: {  	[sflag:s0] =	ssyncadd.tile.s32 @!p0 $0x1;
	_ =	shalt  }
.Lfunc_end2:
_tile_overlayer_lowered:
.L_overlay_start_2:
0xd6: {  	(tag) =	ssettag $0x2  }
0xd7: {  	s0 =	rddreg [dreg:$0x0];
	s2 =	stileid.u32  }
0xd8: {  	s1 =	rddreg [dreg:$0x1];
	p0 =	sne.s32 s2, $0x0  }
0xd9: {  	s3 =	rddreg [dreg:$0x2];
	[bflag:$0x3] =	sbarrier.arrive $0xFFFF;
	s2 =	simm.s32 @!p0 $0x1C02  }
0xda: {  	[timem:s3], [sflag:s2] =	dma.local @!p0 [hbm:s0], s1  }
0xdb: {  	s0 =	simm.s32 @!p0 $0x2  }
0xdc: {  	_ =	swait.ge @!p0 [sflag:s0], s1  }
0xdd: {  	s1 =	ssub.s32 @!p0 $0x0, s1;
	[sflag:s0] =	ssyncset.done @!p0 $0x0  }
0xde: {  	[sflag:s0] =	ssyncadd.s32 @!p0 s1  }
0xdf: {  	[bflag:$0x3] =	sbarrier.arrive $0xFFFF  }
0xe0: {  	_ =	shalt  }

</sc_bundles>
